<compile_context>
chip_gen: v7x
topology: tpu7x:2x2x1
jax: 0.10.2.dev20260603
libtpu: 0.0.44.dev20260713+nightly
codegen_flags: <defaults>
</compile_context>

<pallas_src>
import functools

import jax
import jax.numpy as jnp
from jax import lax
from jax.experimental import pallas as pl
from jax.experimental.pallas import tpu as pltpu
from jax.experimental.pallas import tpu_sc as plsc

N_NODES = 10000
N_EDGES = 320000
D_FEAT = 128
D_EDGE = 16
BATCH = 128

NC = 2
NS = 16
NW = NC * NS
EPW = N_EDGES // NW
K = 80
NCHUNK = EPW // K
RPT = 640
RPT_LAST = N_NODES - 15 * RPT

def _sc_edge_agg_body(sd_hbm, x_hbm, ea_hbm, z1_hbm, z2_hbm,
                      s1_out, s2_out,
                      sd0, sd1, r0, r1, et0, et1, e0, e1, s1_sh, s2_sh,
                      g0, g1, a0, a1, p0, p1, q0, q1):
    c = lax.axis_index("c")
    s = lax.axis_index("s")
    wid = c * NS + s

    SD, RW, EA, EAT = (sd0, sd1), (r0, r1), (e0, e1), (et0, et1)
    GS, AS, PS, QS = (g0, g1), (a0, a1), (p0, p1), (q0, q1)

    @pl.when(s < NS - 1)
    def _():
        pltpu.sync_copy(z1_hbm, s1_sh.at[pl.ds(s * RPT, RPT)])
        pltpu.sync_copy(z2_hbm, s2_sh.at[pl.ds(s * RPT, RPT)])

    @pl.when(s == NS - 1)
    def _():
        pltpu.sync_copy(z1_hbm.at[pl.ds(0, RPT_LAST)],
                        s1_sh.at[pl.ds(s * RPT, RPT_LAST)])
        pltpu.sync_copy(z2_hbm.at[pl.ds(0, RPT_LAST)],
                        s2_sh.at[pl.ds(s * RPT, RPT_LAST)])

    plsc.subcore_barrier()

    ebase = wid * EPW

    def idx_load(j, b):
        pltpu.sync_copy(sd_hbm.at[:, pl.ds(ebase + j * K, K)], SD[b])

    def fe_start(j, b):
        pltpu.async_copy(x_hbm.at[SD[b].at[0]], RW[b], GS[b])
        pltpu.async_copy(ea_hbm.at[:, pl.ds(ebase + j * K, K)], EAT[b], AS[b])

    def gather_wait(b):
        pltpu.make_async_copy(x_hbm.at[SD[b].at[0]], RW[b], GS[b]).wait()

    def ea_wait(j, b):
        pltpu.make_async_copy(ea_hbm.at[:, pl.ds(ebase + j * K, K)],
                              EAT[b], AS[b]).wait()

    feat_ids = lax.iota(jnp.int32, 16)

    def ea_transpose(b):
        def blk(e8, carry):
            for u in range(8):
                e = e8 * 8 + u
                eidx = lax.broadcast(e, (16,)).astype(jnp.int32)
                EA[b][e, :] = plsc.load_gather(EAT[b], [feat_ids, eidx])
            return carry
        lax.fori_loop(0, K // 8, blk, 0)
        for e in range(K - K % 8, K):
            eidx = lax.broadcast(e, (16,)).astype(jnp.int32)
            EA[b][e, :] = plsc.load_gather(EAT[b], [feat_ids, eidx])

    def scat1_start(b):
        pltpu.async_copy(RW[b], s1_sh.at[SD[b].at[1]], PS[b], add=True)

    def scat2_start(b):
        pltpu.async_copy(EA[b], s2_sh.at[SD[b].at[1]], QS[b], add=True)

    def scat_wait(b):
        pltpu.make_async_copy(RW[b], s1_sh.at[SD[b].at[1]], PS[b]).wait()
        pltpu.make_async_copy(EA[b], s2_sh.at[SD[b].at[1]], QS[b]).wait()

    for b in (0, 1):
        idx_load(b, b)
        fe_start(b, b)

    def body(g, carry):
        j0 = 2 * g
        for b in (0, 1):
            gather_wait(b)
            scat1_start(b)
            ea_wait(j0 + b, b)
            ea_transpose(b)
            scat2_start(b)
        for b in (0, 1):
            scat_wait(b)
            jn = j0 + b + 2

            @pl.when(jn < NCHUNK)
            def _():
                idx_load(jn, b)
                fe_start(jn, b)
        return carry

    lax.fori_loop(0, NCHUNK // 2, body, 0)

    if NCHUNK % 2:
        gather_wait(0)
        scat1_start(0)
        ea_wait(NCHUNK - 1, 0)
        ea_transpose(0)
        scat2_start(0)
        scat_wait(0)

    plsc.subcore_barrier()

    @pl.when(s < NS - 1)
    def _():
        pltpu.sync_copy(s1_sh.at[pl.ds(s * RPT, RPT)],
                        s1_out.at[c, pl.ds(s * RPT, RPT)])
        pltpu.sync_copy(s2_sh.at[pl.ds(s * RPT, RPT)],
                        s2_out.at[c, pl.ds(s * RPT, RPT)])

    @pl.when(s == NS - 1)
    def _():
        pltpu.sync_copy(s1_sh.at[pl.ds(s * RPT, RPT_LAST)],
                        s1_out.at[c, pl.ds(s * RPT, RPT_LAST)])
        pltpu.sync_copy(s2_sh.at[pl.ds(s * RPT, RPT_LAST)],
                        s2_out.at[c, pl.ds(s * RPT, RPT_LAST)])


@functools.cache
def _sc_edge_agg():
    mesh = plsc.VectorSubcoreMesh(core_axis_name="c", subcore_axis_name="s",
                                  num_cores=NC, num_subcores=NS)
    return pl.kernel(
        _sc_edge_agg_body,
        out_type=[
            jax.ShapeDtypeStruct((NC, N_NODES, D_FEAT), jnp.float32),
            jax.ShapeDtypeStruct((NC, N_NODES, D_EDGE), jnp.float32),
        ],
        mesh=mesh,
        compiler_params=pltpu.CompilerParams(use_tc_tiling_on_sc=False,
                                             needs_layout_passes=False),
        scratch_types=(
            [pltpu.VMEM((2, K), jnp.int32)] * 2
            + [pltpu.VMEM((K, D_FEAT), jnp.float32)] * 2
            + [pltpu.VMEM((D_EDGE, K), jnp.float32)] * 2
            + [pltpu.VMEM((K, D_EDGE), jnp.float32)] * 2
            + [pltpu.VMEM_SHARED((N_NODES, D_FEAT), jnp.float32),
               pltpu.VMEM_SHARED((N_NODES, D_EDGE), jnp.float32)]
            + [pltpu.SemaphoreType.DMA] * 8
        ),
    )


BLK = 2000
NBLK = N_NODES // BLK


def _tc_body(x_ref, s1_ref, s2_ref, bid_ref, mol_ref,
             wself_ref, wnbr_ref, wedge_ref, b_ref, out_ref, acc_ref):
    i = pl.program_id(0)

    @pl.when(i == 0)
    def _():
        acc_ref[...] = jnp.zeros_like(acc_ref)

    s1 = s1_ref[0] + s1_ref[1]
    s2 = s2_ref[0] + s2_ref[1]
    nr = (jnp.dot(x_ref[...], wself_ref[...], preferred_element_type=jnp.float32)
          + jnp.dot(s1, wnbr_ref[...], preferred_element_type=jnp.float32)
          + jnp.dot(s2, wedge_ref[...], preferred_element_type=jnp.float32)
          + b_ref[...])
    nr = jnp.maximum(nr, 0.0)

    seg = bid_ref[0, 0, :] * 2 + mol_ref[0, 0, :]
    oh = (seg[:, None] == lax.broadcasted_iota(jnp.int32, (BLK, 2 * BATCH), 1))
    acc_ref[...] += lax.dot_general(oh.astype(jnp.float32), nr,
                                    (((0,), (0,)), ((), ())),
                                    preferred_element_type=jnp.float32)

    @pl.when(i == NBLK - 1)
    def _():
        out_ref[...] = acc_ref[...]


_tc_pool = pl.pallas_call(
    _tc_body,
    grid=(NBLK,),
    in_specs=[
        pl.BlockSpec((BLK, D_FEAT), lambda i: (i, 0)),
        pl.BlockSpec((NC, BLK, D_FEAT), lambda i: (0, i, 0)),
        pl.BlockSpec((NC, BLK, D_EDGE), lambda i: (0, i, 0)),
        pl.BlockSpec((1, 1, BLK), lambda i: (i, 0, 0)),
        pl.BlockSpec((1, 1, BLK), lambda i: (i, 0, 0)),
        pl.BlockSpec((D_FEAT, D_FEAT), lambda i: (0, 0)),
        pl.BlockSpec((D_FEAT, D_FEAT), lambda i: (0, 0)),
        pl.BlockSpec((D_EDGE, D_FEAT), lambda i: (0, 0)),
        pl.BlockSpec((1, D_FEAT), lambda i: (0, 0)),
    ],
    out_specs=pl.BlockSpec((2 * BATCH, D_FEAT), lambda i: (0, 0)),
    out_shape=jax.ShapeDtypeStruct((2 * BATCH, D_FEAT), jnp.float32),
    scratch_shapes=[pltpu.VMEM((2 * BATCH, D_FEAT), jnp.float32)],
)


@jax.jit
def kernel(x, edge_index, edge_attr, batch_ids, mol_idx, y,
           W_self, W_nbr, W_edge, b):
    sd = edge_index.astype(jnp.int32)
    z1 = jnp.zeros((RPT, D_FEAT), jnp.float32)
    z2 = jnp.zeros((RPT, D_EDGE), jnp.float32)

    s1p, s2p = _sc_edge_agg()(sd, x, edge_attr.T, z1, z2)

    bid = batch_ids.astype(jnp.int32).reshape(NBLK, 1, BLK)
    mol = mol_idx.astype(jnp.int32).reshape(NBLK, 1, BLK)
    pooled = _tc_pool(x, s1p, s2p, bid, mol,
                      W_self, W_nbr, W_edge, b.reshape(1, D_FEAT))
    return pooled.reshape(BATCH, 2 * D_FEAT), y

# --- scband reference (transcript-rebuilt; emitter-appended) ---
"""Pipeline reference for scband-reaction-classification-head-26723286516089 (READ-ONLY COPY).

The authoritative reference and input builder live on the scoring server;
editing this copy changes nothing except your own understanding.
"""

import jax, jax.numpy as jnp
import numpy as np

N_NODES = 10000
N_EDGES = 320000
D_FEAT = 128
D_EDGE = 16
BATCH = 128


def setup_inputs(seed: int = 0) -> dict:
    key = jax.random.key(seed)
    k = jax.random.split(key, 10)
    x = jax.random.normal(k[0], (N_NODES, D_FEAT), dtype=jnp.float32)
    edge_index = jax.random.randint(k[1], (2, N_EDGES), 0, N_NODES, dtype=jnp.int64)
    edge_attr = jax.random.normal(k[2], (N_EDGES, D_EDGE), dtype=jnp.float32)
    batch_ids = jnp.sort(jax.random.randint(k[3], (N_NODES,), 0, BATCH, dtype=jnp.int64))
    mol_idx = jax.random.randint(k[4], (N_NODES,), 0, 2, dtype=jnp.int64)
    y = jax.random.randint(k[5], (BATCH,), 0, 10, dtype=jnp.int64)
    # GNN (single message-passing layer) learned parameters
    W_self = jax.random.normal(k[6], (D_FEAT, D_FEAT), dtype=jnp.float32) * (1.0 / np.sqrt(D_FEAT))
    W_nbr = jax.random.normal(k[7], (D_FEAT, D_FEAT), dtype=jnp.float32) * (1.0 / np.sqrt(D_FEAT))
    W_edge = jax.random.normal(k[8], (D_EDGE, D_FEAT), dtype=jnp.float32) * (1.0 / np.sqrt(D_EDGE))
    b = jnp.zeros((D_FEAT,), dtype=jnp.float32)
    return {"x": x, "edge_index": edge_index, "edge_attr": edge_attr,
            "batch_ids": batch_ids, "mol_idx": mol_idx, "y": y,
            "W_self": W_self, "W_nbr": W_nbr, "W_edge": W_edge, "b": b}


def _gnn(x, edge_index, edge_attr, W_self, W_nbr, W_edge, b):
    src = edge_index[0]
    dst = edge_index[1]
    msg = jnp.take(x, src, axis=0) @ W_nbr + edge_attr @ W_edge
    agg = jax.ops.segment_sum(msg, dst, num_segments=x.shape[0])
    return jax.nn.relu(x @ W_self + agg + b)


def reference(x, edge_index, edge_attr, batch_ids, mol_idx, y, W_self, W_nbr, W_edge, b):
    # node representations from the wrapped GNN
    node_rep = _gnn(x, edge_index, edge_attr, W_self, W_nbr, W_edge, b)
    # pool='sum': for each graph b, sum reactant nodes (mol_idx==0) and product
    # nodes (mol_idx==1) separately, then concat -> [2*d] per reaction.
    # Combined segment id interleaves (graph, mol) so reshape reproduces
    # torch.cat((reactant_pool, product_pool)).view(-1) exactly.
    seg = batch_ids * 2 + mol_idx
    pooled = jax.ops.segment_sum(node_rep, seg, num_segments=2 * BATCH)  # [2B, d]
    reaction_readout = pooled.reshape(BATCH, 2 * D_FEAT)
    return (reaction_readout, y)

if __name__ == "__main__":
    import jax
    _d = setup_inputs()
    print(jax.jit(kernel)(*tuple(_d.values())))

</pallas_src>

<mosaic_0001>
#map = affine_map<(d0, d1) -> (0, 0)>
#map1 = affine_map<(d0, d1) -> (0, 0, 0)>
module attributes {stable_mosaic.version = 14 : i64} {
  func.func @_sc_edge_agg_body(%arg0: i32, %arg1: i32, %arg2: memref<2x320000xi32, #tpu.memory_space<hbm>>, %arg3: memref<10000x128xf32, #tpu.memory_space<hbm>>, %arg4: memref<16x320000xf32, #tpu.memory_space<hbm>>, %arg5: memref<640x128xf32, #tpu.memory_space<hbm>>, %arg6: memref<640x16xf32, #tpu.memory_space<hbm>>, %arg7: memref<2x10000x128xf32, #tpu.memory_space<hbm>>, %arg8: memref<2x10000x16xf32, #tpu.memory_space<hbm>>, %arg9: memref<2x80xi32, #tpu.memory_space<vmem>>, %arg10: memref<2x80xi32, #tpu.memory_space<vmem>>, %arg11: memref<80x128xf32, #tpu.memory_space<vmem>>, %arg12: memref<80x128xf32, #tpu.memory_space<vmem>>, %arg13: memref<16x80xf32, #tpu.memory_space<vmem>>, %arg14: memref<16x80xf32, #tpu.memory_space<vmem>>, %arg15: memref<80x16xf32, #tpu.memory_space<vmem>>, %arg16: memref<80x16xf32, #tpu.memory_space<vmem>>, %arg17: memref<10000x128xf32, #tpu.memory_space<vmem_shared>>, %arg18: memref<10000x16xf32, #tpu.memory_space<vmem_shared>>, %arg19: memref<!tpu.dma_semaphore, #tpu.memory_space<semaphore_mem>>, %arg20: memref<!tpu.dma_semaphore, #tpu.memory_space<semaphore_mem>>, %arg21: memref<!tpu.dma_semaphore, #tpu.memory_space<semaphore_mem>>, %arg22: memref<!tpu.dma_semaphore, #tpu.memory_space<semaphore_mem>>, %arg23: memref<!tpu.dma_semaphore, #tpu.memory_space<semaphore_mem>>, %arg24: memref<!tpu.dma_semaphore, #tpu.memory_space<semaphore_mem>>, %arg25: memref<!tpu.dma_semaphore, #tpu.memory_space<semaphore_mem>>, %arg26: memref<!tpu.dma_semaphore, #tpu.memory_space<semaphore_mem>>) attributes {dimension_semantics = [#tpu.dimension_semantics<core_parallel>, #tpu.dimension_semantics<subcore_parallel>], iteration_bounds = array<i64: 2, 16>, scalar_prefetch = 0 : i64, scratch_operands = 18 : i64, tpu.core_type = #tpu.core_type<sc_vector_subcore>, window_params = [{transform_indices = #map}, {transform_indices = #map}, {transform_indices = #map}, {transform_indices = #map}, {transform_indices = #map}, {transform_indices = #map1}, {transform_indices = #map1}]} {
    %mul3A = arith.constant 16 : i32
    %mul3A_0 = arith.muli %arg0, %mul3A : i32
    %add3A = arith.addi %mul3A_0, %arg1 : i32
    %lt3A = arith.constant 15 : i32
    %lt3A_1 = arith.cmpi slt, %arg1, %lt3A : i32
    %convert_element_type3A = arith.extui %lt3A_1 : i1 to i32
    %cond3A = arith.constant 0 : i32
    %cond3A_2 = arith.cmpi ne, %convert_element_type3A, %cond3A : i32
    scf.if %cond3A_2 {
      %mul3A_100 = arith.constant 640 : i32
      %mul3A_101 = arith.muli %arg1, %mul3A_100 : i32
      "tpu.region"() ({
        %run_scoped3A = tpu.sem_alloc : memref<!tpu.dma_semaphore, #tpu.memory_space<semaphore_mem>>
        %dma_start3A_104 = arith.constant 0 : i32
        %dma_start3A_105 = tpu.memref_slice %arg17[%mul3A_101, %dma_start3A_104] : memref<10000x128xf32, #tpu.memory_space<vmem_shared>> -> memref<640x128xf32, #tpu.memory_space<vmem_shared>>
        tpu.enqueue_dma source(%arg5 : memref<640x128xf32, #tpu.memory_space<hbm>>) target(%dma_start3A_105 : memref<640x128xf32, #tpu.memory_space<vmem_shared>>) target_semaphore(%run_scoped3A : memref<!tpu.dma_semaphore, #tpu.memory_space<semaphore_mem>>)
        %dma_wait3A_106 = arith.constant 0 : i32
        %dma_wait3A_107 = tpu.memref_slice %arg17[%mul3A_101, %dma_wait3A_106] : memref<10000x128xf32, #tpu.memory_space<vmem_shared>> -> memref<640x128xf32, #tpu.memory_space<vmem_shared>>
        tpu.wait_dma2 semaphore(%run_scoped3A : memref<!tpu.dma_semaphore, #tpu.memory_space<semaphore_mem>>) src(%arg5 : memref<640x128xf32, #tpu.memory_space<hbm>>) dst(%dma_wait3A_107 : memref<640x128xf32, #tpu.memory_space<vmem_shared>>)
        tpu.yield
      }) : () -> ()
      %mul3A_102 = arith.constant 640 : i32
      %mul3A_103 = arith.muli %arg1, %mul3A_102 : i32
      "tpu.region"() ({
        %run_scoped3A = tpu.sem_alloc : memref<!tpu.dma_semaphore, #tpu.memory_space<semaphore_mem>>
        %dma_start3A_104 = arith.constant 0 : i32
        %dma_start3A_105 = tpu.memref_slice %arg18[%mul3A_103, %dma_start3A_104] : memref<10000x16xf32, #tpu.memory_space<vmem_shared>> -> memref<640x16xf32, #tpu.memory_space<vmem_shared>>
        tpu.enqueue_dma source(%arg6 : memref<640x16xf32, #tpu.memory_space<hbm>>) target(%dma_start3A_105 : memref<640x16xf32, #tpu.memory_space<vmem_shared>>) target_semaphore(%run_scoped3A : memref<!tpu.dma_semaphore, #tpu.memory_space<semaphore_mem>>)
        %dma_wait3A_106 = arith.constant 0 : i32
        %dma_wait3A_107 = tpu.memref_slice %arg18[%mul3A_103, %dma_wait3A_106] : memref<10000x16xf32, #tpu.memory_space<vmem_shared>> -> memref<640x16xf32, #tpu.memory_space<vmem_shared>>
        tpu.wait_dma2 semaphore(%run_scoped3A : memref<!tpu.dma_semaphore, #tpu.memory_space<semaphore_mem>>) src(%arg6 : memref<640x16xf32, #tpu.memory_space<hbm>>) dst(%dma_wait3A_107 : memref<640x16xf32, #tpu.memory_space<vmem_shared>>)
        tpu.yield
      }) : () -> ()
    } else {
    }
    %eq3A = arith.constant 15 : i32
    %eq3A_3 = arith.cmpi eq, %arg1, %eq3A : i32
    %convert_element_type3A_4 = arith.extui %eq3A_3 : i1 to i32
    %cond3A_5 = arith.constant 0 : i32
    %cond3A_6 = arith.cmpi ne, %convert_element_type3A_4, %cond3A_5 : i32
    scf.if %cond3A_6 {
      %mul3A_100 = arith.constant 640 : i32
      %mul3A_101 = arith.muli %arg1, %mul3A_100 : i32
      "tpu.region"() ({
        %run_scoped3A = tpu.sem_alloc : memref<!tpu.dma_semaphore, #tpu.memory_space<semaphore_mem>>
        %dma_start3A_104 = arith.constant 0 : i32
        %dma_start3A_105 = tpu.memref_slice %arg17[%mul3A_101, %dma_start3A_104] : memref<10000x128xf32, #tpu.memory_space<vmem_shared>> -> memref<400x128xf32, #tpu.memory_space<vmem_shared>>
        %dma_start3A_106 = arith.constant 0 : i32
        %dma_start3A_107 = arith.constant 0 : i32
        %dma_start3A_108 = tpu.memref_slice %arg5[%dma_start3A_106, %dma_start3A_107] : memref<640x128xf32, #tpu.memory_space<hbm>> -> memref<400x128xf32, #tpu.memory_space<hbm>>
        tpu.enqueue_dma source(%dma_start3A_108 : memref<400x128xf32, #tpu.memory_space<hbm>>) target(%dma_start3A_105 : memref<400x128xf32, #tpu.memory_space<vmem_shared>>) target_semaphore(%run_scoped3A : memref<!tpu.dma_semaphore, #tpu.memory_space<semaphore_mem>>)
        %dma_wait3A_109 = arith.constant 0 : i32
        %dma_wait3A_110 = tpu.memref_slice %arg17[%mul3A_101, %dma_wait3A_109] : memref<10000x128xf32, #tpu.memory_space<vmem_shared>> -> memref<400x128xf32, #tpu.memory_space<vmem_shared>>
        %dma_wait3A_111 = arith.constant 0 : i32
        %dma_wait3A_112 = arith.constant 0 : i32
        %dma_wait3A_113 = tpu.memref_slice %arg5[%dma_wait3A_111, %dma_wait3A_112] : memref<640x128xf32, #tpu.memory_space<hbm>> -> memref<400x128xf32, #tpu.memory_space<hbm>>
        tpu.wait_dma2 semaphore(%run_scoped3A : memref<!tpu.dma_semaphore, #tpu.memory_space<semaphore_mem>>) src(%dma_wait3A_113 : memref<400x128xf32, #tpu.memory_space<hbm>>) dst(%dma_wait3A_110 : memref<400x128xf32, #tpu.memory_space<vmem_shared>>)
        tpu.yield
      }) : () -> ()
      %mul3A_102 = arith.constant 640 : i32
      %mul3A_103 = arith.muli %arg1, %mul3A_102 : i32
      "tpu.region"() ({
        %run_scoped3A = tpu.sem_alloc : memref<!tpu.dma_semaphore, #tpu.memory_space<semaphore_mem>>
        %dma_start3A_104 = arith.constant 0 : i32
        %dma_start3A_105 = tpu.memref_slice %arg18[%mul3A_103, %dma_start3A_104] : memref<10000x16xf32, #tpu.memory_space<vmem_shared>> -> memref<400x16xf32, #tpu.memory_space<vmem_shared>>
        %dma_start3A_106 = arith.constant 0 : i32
        %dma_start3A_107 = arith.constant 0 : i32
        %dma_start3A_108 = tpu.memref_slice %arg6[%dma_start3A_106, %dma_start3A_107] : memref<640x16xf32, #tpu.memory_space<hbm>> -> memref<400x16xf32, #tpu.memory_space<hbm>>
        tpu.enqueue_dma source(%dma_start3A_108 : memref<400x16xf32, #tpu.memory_space<hbm>>) target(%dma_start3A_105 : memref<400x16xf32, #tpu.memory_space<vmem_shared>>) target_semaphore(%run_scoped3A : memref<!tpu.dma_semaphore, #tpu.memory_space<semaphore_mem>>)
        %dma_wait3A_109 = arith.constant 0 : i32
        %dma_wait3A_110 = tpu.memref_slice %arg18[%mul3A_103, %dma_wait3A_109] : memref<10000x16xf32, #tpu.memory_space<vmem_shared>> -> memref<400x16xf32, #tpu.memory_space<vmem_shared>>
        %dma_wait3A_111 = arith.constant 0 : i32
        %dma_wait3A_112 = arith.constant 0 : i32
        %dma_wait3A_113 = tpu.memref_slice %arg6[%dma_wait3A_111, %dma_wait3A_112] : memref<640x16xf32, #tpu.memory_space<hbm>> -> memref<400x16xf32, #tpu.memory_space<hbm>>
        tpu.wait_dma2 semaphore(%run_scoped3A : memref<!tpu.dma_semaphore, #tpu.memory_space<semaphore_mem>>) src(%dma_wait3A_113 : memref<400x16xf32, #tpu.memory_space<hbm>>) dst(%dma_wait3A_110 : memref<400x16xf32, #tpu.memory_space<vmem_shared>>)
        tpu.yield
      }) : () -> ()
    } else {
    }
    %barrier3A = arith.constant 0 : index
    tpu.barrier barrier_id(%barrier3A)
    %mul3A_7 = arith.constant 10000 : i32
    %mul3A_8 = arith.muli %add3A, %mul3A_7 : i32
    %iota3A = tpu.iota {dimensions = array<i32: 0>} : vector<16xi32>
    %add3A_9 = arith.constant 0 : i32
    %add3A_10 = arith.addi %mul3A_8, %add3A_9 : i32
    "tpu.region"() ({
      %run_scoped3A = tpu.sem_alloc : memref<!tpu.dma_semaphore, #tpu.memory_space<semaphore_mem>>
      %dma_start3A_100 = arith.constant 0 : i32
      %dma_start3A_101 = tpu.memref_slice %arg2[%dma_start3A_100, %add3A_10] : memref<2x320000xi32, #tpu.memory_space<hbm>> -> memref<2x80xi32, #tpu.memory_space<hbm>>
      %dma_start3A_102 = arith.constant 0 : i32
      %dma_start3A_103 = tpu.memref_slice %arg2[%dma_start3A_102, %add3A_10] : memref<2x320000xi32, #tpu.memory_space<hbm>> -> memref<2x80xi32, #tpu.memory_space<hbm>>
      tpu.enqueue_dma source(%dma_start3A_103 : memref<2x80xi32, #tpu.memory_space<hbm>>) target(%arg9 : memref<2x80xi32, #tpu.memory_space<vmem>>) target_semaphore(%run_scoped3A : memref<!tpu.dma_semaphore, #tpu.memory_space<semaphore_mem>>)
      %dma_wait3A_104 = arith.constant 0 : i32
      %dma_wait3A_105 = tpu.memref_slice %arg2[%dma_wait3A_104, %add3A_10] : memref<2x320000xi32, #tpu.memory_space<hbm>> -> memref<2x80xi32, #tpu.memory_space<hbm>>
      %dma_wait3A_106 = arith.constant 0 : i32
      %dma_wait3A_107 = tpu.memref_slice %arg2[%dma_wait3A_106, %add3A_10] : memref<2x320000xi32, #tpu.memory_space<hbm>> -> memref<2x80xi32, #tpu.memory_space<hbm>>
      tpu.wait_dma2 semaphore(%run_scoped3A : memref<!tpu.dma_semaphore, #tpu.memory_space<semaphore_mem>>) src(%dma_wait3A_107 : memref<2x80xi32, #tpu.memory_space<hbm>>) dst(%arg9 : memref<2x80xi32, #tpu.memory_space<vmem>>)
      tpu.yield
    }) : () -> ()
    %dma_start3A = arith.constant 0 : i32
    %dma_start3A_11 = arith.constant 0 : i32
    %dma_start3A_12 = tpu.memref_slice %arg9[%dma_start3A, %dma_start3A_11] : memref<2x80xi32, #tpu.memory_space<vmem>> -> memref<1x80xi32, #tpu.memory_space<vmem>>
    %dma_start3A_13 = tpu.memref_squeeze %dma_start3A_12 : memref<1x80xi32, #tpu.memory_space<vmem>> -> memref<80xi32, #tpu.memory_space<vmem>>
    %dma_start3A_14 = arith.constant 0 : i32
    %dma_start3A_15 = arith.constant 0 : i32
    %dma_start3A_16 = tpu.memref_slice %arg3[%dma_start3A_14, %dma_start3A_15] : memref<10000x128xf32, #tpu.memory_space<hbm>> -> memref<10000x128xf32, #tpu.memory_space<hbm>>
    tpu.enqueue_indirect_dma source(%dma_start3A_16 : memref<10000x128xf32, #tpu.memory_space<hbm>>) target(%arg11 : memref<80x128xf32, #tpu.memory_space<vmem>>) offsets(%dma_start3A_13 : memref<80xi32, #tpu.memory_space<vmem>>) semaphore(%arg19 : memref<!tpu.dma_semaphore, #tpu.memory_space<semaphore_mem>>)
    %add3A_17 = arith.constant 0 : i32
    %add3A_18 = arith.addi %mul3A_8, %add3A_17 : i32
    %dma_start3A_19 = arith.constant 0 : i32
    %dma_start3A_20 = tpu.memref_slice %arg4[%dma_start3A_19, %add3A_18] : memref<16x320000xf32, #tpu.memory_space<hbm>> -> memref<16x80xf32, #tpu.memory_space<hbm>>
    %dma_start3A_21 = arith.constant 0 : i32
    %dma_start3A_22 = tpu.memref_slice %arg4[%dma_start3A_21, %add3A_18] : memref<16x320000xf32, #tpu.memory_space<hbm>> -> memref<16x80xf32, #tpu.memory_space<hbm>>
    tpu.enqueue_dma source(%dma_start3A_22 : memref<16x80xf32, #tpu.memory_space<hbm>>) target(%arg13 : memref<16x80xf32, #tpu.memory_space<vmem>>) target_semaphore(%arg21 : memref<!tpu.dma_semaphore, #tpu.memory_space<semaphore_mem>>)
    %add3A_23 = arith.constant 80 : i32
    %add3A_24 = arith.addi %mul3A_8, %add3A_23 : i32
    "tpu.region"() ({
      %run_scoped3A = tpu.sem_alloc : memref<!tpu.dma_semaphore, #tpu.memory_space<semaphore_mem>>
      %dma_start3A_100 = arith.constant 0 : i32
      %dma_start3A_101 = tpu.memref_slice %arg2[%dma_start3A_100, %add3A_24] : memref<2x320000xi32, #tpu.memory_space<hbm>> -> memref<2x80xi32, #tpu.memory_space<hbm>>
      %dma_start3A_102 = arith.constant 0 : i32
      %dma_start3A_103 = tpu.memref_slice %arg2[%dma_start3A_102, %add3A_24] : memref<2x320000xi32, #tpu.memory_space<hbm>> -> memref<2x80xi32, #tpu.memory_space<hbm>>
      tpu.enqueue_dma source(%dma_start3A_103 : memref<2x80xi32, #tpu.memory_space<hbm>>) target(%arg10 : memref<2x80xi32, #tpu.memory_space<vmem>>) target_semaphore(%run_scoped3A : memref<!tpu.dma_semaphore, #tpu.memory_space<semaphore_mem>>)
      %dma_wait3A_104 = arith.constant 0 : i32
      %dma_wait3A_105 = tpu.memref_slice %arg2[%dma_wait3A_104, %add3A_24] : memref<2x320000xi32, #tpu.memory_space<hbm>> -> memref<2x80xi32, #tpu.memory_space<hbm>>
      %dma_wait3A_106 = arith.constant 0 : i32
      %dma_wait3A_107 = tpu.memref_slice %arg2[%dma_wait3A_106, %add3A_24] : memref<2x320000xi32, #tpu.memory_space<hbm>> -> memref<2x80xi32, #tpu.memory_space<hbm>>
      tpu.wait_dma2 semaphore(%run_scoped3A : memref<!tpu.dma_semaphore, #tpu.memory_space<semaphore_mem>>) src(%dma_wait3A_107 : memref<2x80xi32, #tpu.memory_space<hbm>>) dst(%arg10 : memref<2x80xi32, #tpu.memory_space<vmem>>)
      tpu.yield
    }) : () -> ()
    %dma_start3A_25 = arith.constant 0 : i32
    %dma_start3A_26 = arith.constant 0 : i32
    %dma_start3A_27 = tpu.memref_slice %arg10[%dma_start3A_25, %dma_start3A_26] : memref<2x80xi32, #tpu.memory_space<vmem>> -> memref<1x80xi32, #tpu.memory_space<vmem>>
    %dma_start3A_28 = tpu.memref_squeeze %dma_start3A_27 : memref<1x80xi32, #tpu.memory_space<vmem>> -> memref<80xi32, #tpu.memory_space<vmem>>
    %dma_start3A_29 = arith.constant 0 : i32
    %dma_start3A_30 = arith.constant 0 : i32
    %dma_start3A_31 = tpu.memref_slice %arg3[%dma_start3A_29, %dma_start3A_30] : memref<10000x128xf32, #tpu.memory_space<hbm>> -> memref<10000x128xf32, #tpu.memory_space<hbm>>
    tpu.enqueue_indirect_dma source(%dma_start3A_31 : memref<10000x128xf32, #tpu.memory_space<hbm>>) target(%arg12 : memref<80x128xf32, #tpu.memory_space<vmem>>) offsets(%dma_start3A_28 : memref<80xi32, #tpu.memory_space<vmem>>) semaphore(%arg20 : memref<!tpu.dma_semaphore, #tpu.memory_space<semaphore_mem>>)
    %add3A_32 = arith.constant 80 : i32
    %add3A_33 = arith.addi %mul3A_8, %add3A_32 : i32
    %dma_start3A_34 = arith.constant 0 : i32
    %dma_start3A_35 = tpu.memref_slice %arg4[%dma_start3A_34, %add3A_33] : memref<16x320000xf32, #tpu.memory_space<hbm>> -> memref<16x80xf32, #tpu.memory_space<hbm>>
    %dma_start3A_36 = arith.constant 0 : i32
    %dma_start3A_37 = tpu.memref_slice %arg4[%dma_start3A_36, %add3A_33] : memref<16x320000xf32, #tpu.memory_space<hbm>> -> memref<16x80xf32, #tpu.memory_space<hbm>>
    tpu.enqueue_dma source(%dma_start3A_37 : memref<16x80xf32, #tpu.memory_space<hbm>>) target(%arg14 : memref<16x80xf32, #tpu.memory_space<vmem>>) target_semaphore(%arg22 : memref<!tpu.dma_semaphore, #tpu.memory_space<semaphore_mem>>)
    %scan3A = arith.constant 0 : i32
    %scan3A_38 = arith.constant 0 : i32
    %scan3A_39 = arith.constant 62 : i32
    %scan3A_40 = arith.addi %scan3A_38, %scan3A_39 : i32
    %scan3A_41 = arith.constant 1 : i32
    scf.for %scan3A_100 = %scan3A_38 to %scan3A_40 step %scan3A_41  : i32 {
      %mul3A_101 = arith.constant 2 : i32
      %mul3A_102 = arith.muli %mul3A_101, %scan3A_100 : i32
      %dma_wait3A_103 = arith.constant 0 : i32
      %dma_wait3A_104 = arith.constant 0 : i32
      %dma_wait3A_105 = tpu.memref_slice %arg9[%dma_wait3A_103, %dma_wait3A_104] : memref<2x80xi32, #tpu.memory_space<vmem>> -> memref<1x80xi32, #tpu.memory_space<vmem>>
      %dma_wait3A_106 = tpu.memref_squeeze %dma_wait3A_105 : memref<1x80xi32, #tpu.memory_space<vmem>> -> memref<80xi32, #tpu.memory_space<vmem>>
      %dma_wait3A_107 = arith.constant 0 : i32
      %dma_wait3A_108 = arith.constant 0 : i32
      %dma_wait3A_109 = tpu.memref_slice %arg3[%dma_wait3A_107, %dma_wait3A_108] : memref<10000x128xf32, #tpu.memory_space<hbm>> -> memref<10000x128xf32, #tpu.memory_space<hbm>>
      tpu.wait_indirect_dma semaphore(%arg19 : memref<!tpu.dma_semaphore, #tpu.memory_space<semaphore_mem>>) src(%dma_wait3A_109 : memref<10000x128xf32, #tpu.memory_space<hbm>>) dst(%arg11 : memref<80x128xf32, #tpu.memory_space<vmem>>)
      %dma_start3A_110 = arith.constant 1 : i32
      %dma_start3A_111 = arith.constant 0 : i32
      %dma_start3A_112 = tpu.memref_slice %arg9[%dma_start3A_110, %dma_start3A_111] : memref<2x80xi32, #tpu.memory_space<vmem>> -> memref<1x80xi32, #tpu.memory_space<vmem>>
      %dma_start3A_113 = tpu.memref_squeeze %dma_start3A_112 : memref<1x80xi32, #tpu.memory_space<vmem>> -> memref<80xi32, #tpu.memory_space<vmem>>
      %dma_start3A_114 = arith.constant 0 : i32
      %dma_start3A_115 = arith.constant 0 : i32
      %dma_start3A_116 = tpu.memref_slice %arg17[%dma_start3A_114, %dma_start3A_115] : memref<10000x128xf32, #tpu.memory_space<vmem_shared>> -> memref<10000x128xf32, #tpu.memory_space<vmem_shared>>
      tpu.enqueue_indirect_dma source(%arg11 : memref<80x128xf32, #tpu.memory_space<vmem>>) target(%dma_start3A_116 : memref<10000x128xf32, #tpu.memory_space<vmem_shared>>) offsets(%dma_start3A_113 : memref<80xi32, #tpu.memory_space<vmem>>) semaphore(%arg23 : memref<!tpu.dma_semaphore, #tpu.memory_space<semaphore_mem>>) {add = true}
      %add3A_117 = arith.constant 0 : i32
      %add3A_118 = arith.addi %mul3A_102, %add3A_117 : i32
      %mul3A_119 = arith.constant 80 : i32
      %mul3A_120 = arith.muli %add3A_118, %mul3A_119 : i32
      %add3A_121 = arith.addi %mul3A_8, %mul3A_120 : i32
      %dma_wait3A_122 = arith.constant 0 : i32
      %dma_wait3A_123 = tpu.memref_slice %arg4[%dma_wait3A_122, %add3A_121] : memref<16x320000xf32, #tpu.memory_space<hbm>> -> memref<16x80xf32, #tpu.memory_space<hbm>>
      %dma_wait3A_124 = arith.constant 0 : i32
      %dma_wait3A_125 = tpu.memref_slice %arg4[%dma_wait3A_124, %add3A_121] : memref<16x320000xf32, #tpu.memory_space<hbm>> -> memref<16x80xf32, #tpu.memory_space<hbm>>
      tpu.wait_dma2 semaphore(%arg21 : memref<!tpu.dma_semaphore, #tpu.memory_space<semaphore_mem>>) src(%dma_wait3A_125 : memref<16x80xf32, #tpu.memory_space<hbm>>) dst(%arg13 : memref<16x80xf32, #tpu.memory_space<vmem>>)
      %scan3A_126 = arith.constant 0 : i32
      %scan3A_127 = arith.constant 0 : i32
      %scan3A_128 = arith.constant 10 : i32
      %scan3A_129 = arith.addi %scan3A_127, %scan3A_128 : i32
      %scan3A_130 = arith.constant 1 : i32
      scf.for %scan3A_221 = %scan3A_127 to %scan3A_129 step %scan3A_130  : i32 {
        %mul3A_222 = arith.constant 8 : i32
        %mul3A_223 = arith.muli %scan3A_221, %mul3A_222 : i32
        %add3A_224 = arith.constant 0 : i32
        %add3A_225 = arith.addi %mul3A_223, %add3A_224 : i32
        %broadcast_in_dim3A = vector.broadcast %add3A_225 : i32 to vector<16xi32>
        %gather3A = tpu.vector_load_idx %arg13[%iota3A, %broadcast_in_dim3A] : memref<16x80xf32, #tpu.memory_space<vmem>>[vector<16xi32>, vector<16xi32>], vector<16xf32>,
        %swap3A = arith.index_cast %add3A_225 : i32 to index
        %swap3A_226 = arith.constant 0 : index
        %swap3A_227 = tpu.vector_load %arg15[%swap3A, %swap3A_226] {strides = array<i32>} : memref<80x16xf32, #tpu.memory_space<vmem>>, vector<16xf32>,
        tpu.vector_store %arg15[%swap3A, %swap3A_226], %gather3A {strides = array<i32>} : memref<80x16xf32, #tpu.memory_space<vmem>>, vector<16xf32>,
        %mul3A_228 = arith.constant 8 : i32
        %mul3A_229 = arith.muli %scan3A_221, %mul3A_228 : i32
        %add3A_230 = arith.constant 1 : i32
        %add3A_231 = arith.addi %mul3A_229, %add3A_230 : i32
        %broadcast_in_dim3A_232 = vector.broadcast %add3A_231 : i32 to vector<16xi32>
        %gather3A_233 = tpu.vector_load_idx %arg13[%iota3A, %broadcast_in_dim3A_232] : memref<16x80xf32, #tpu.memory_space<vmem>>[vector<16xi32>, vector<16xi32>], vector<16xf32>,
        %swap3A_234 = arith.index_cast %add3A_231 : i32 to index
        %swap3A_235 = arith.constant 0 : index
        %swap3A_236 = tpu.vector_load %arg15[%swap3A_234, %swap3A_235] {strides = array<i32>} : memref<80x16xf32, #tpu.memory_space<vmem>>, vector<16xf32>,
        tpu.vector_store %arg15[%swap3A_234, %swap3A_235], %gather3A_233 {strides = array<i32>} : memref<80x16xf32, #tpu.memory_space<vmem>>, vector<16xf32>,
        %mul3A_237 = arith.constant 8 : i32
        %mul3A_238 = arith.muli %scan3A_221, %mul3A_237 : i32
        %add3A_239 = arith.constant 2 : i32
        %add3A_240 = arith.addi %mul3A_238, %add3A_239 : i32
        %broadcast_in_dim3A_241 = vector.broadcast %add3A_240 : i32 to vector<16xi32>
        %gather3A_242 = tpu.vector_load_idx %arg13[%iota3A, %broadcast_in_dim3A_241] : memref<16x80xf32, #tpu.memory_space<vmem>>[vector<16xi32>, vector<16xi32>], vector<16xf32>,
        %swap3A_243 = arith.index_cast %add3A_240 : i32 to index
        %swap3A_244 = arith.constant 0 : index
        %swap3A_245 = tpu.vector_load %arg15[%swap3A_243, %swap3A_244] {strides = array<i32>} : memref<80x16xf32, #tpu.memory_space<vmem>>, vector<16xf32>,
        tpu.vector_store %arg15[%swap3A_243, %swap3A_244], %gather3A_242 {strides = array<i32>} : memref<80x16xf32, #tpu.memory_space<vmem>>, vector<16xf32>,
        %mul3A_246 = arith.constant 8 : i32
        %mul3A_247 = arith.muli %scan3A_221, %mul3A_246 : i32
        %add3A_248 = arith.constant 3 : i32
        %add3A_249 = arith.addi %mul3A_247, %add3A_248 : i32
        %broadcast_in_dim3A_250 = vector.broadcast %add3A_249 : i32 to vector<16xi32>
        %gather3A_251 = tpu.vector_load_idx %arg13[%iota3A, %broadcast_in_dim3A_250] : memref<16x80xf32, #tpu.memory_space<vmem>>[vector<16xi32>, vector<16xi32>], vector<16xf32>,
        %swap3A_252 = arith.index_cast %add3A_249 : i32 to index
        %swap3A_253 = arith.constant 0 : index
        %swap3A_254 = tpu.vector_load %arg15[%swap3A_252, %swap3A_253] {strides = array<i32>} : memref<80x16xf32, #tpu.memory_space<vmem>>, vector<16xf32>,
        tpu.vector_store %arg15[%swap3A_252, %swap3A_253], %gather3A_251 {strides = array<i32>} : memref<80x16xf32, #tpu.memory_space<vmem>>, vector<16xf32>,
        %mul3A_255 = arith.constant 8 : i32
        %mul3A_256 = arith.muli %scan3A_221, %mul3A_255 : i32
        %add3A_257 = arith.constant 4 : i32
        %add3A_258 = arith.addi %mul3A_256, %add3A_257 : i32
        %broadcast_in_dim3A_259 = vector.broadcast %add3A_258 : i32 to vector<16xi32>
        %gather3A_260 = tpu.vector_load_idx %arg13[%iota3A, %broadcast_in_dim3A_259] : memref<16x80xf32, #tpu.memory_space<vmem>>[vector<16xi32>, vector<16xi32>], vector<16xf32>,
        %swap3A_261 = arith.index_cast %add3A_258 : i32 to index
        %swap3A_262 = arith.constant 0 : index
        %swap3A_263 = tpu.vector_load %arg15[%swap3A_261, %swap3A_262] {strides = array<i32>} : memref<80x16xf32, #tpu.memory_space<vmem>>, vector<16xf32>,
        tpu.vector_store %arg15[%swap3A_261, %swap3A_262], %gather3A_260 {strides = array<i32>} : memref<80x16xf32, #tpu.memory_space<vmem>>, vector<16xf32>,
        %mul3A_264 = arith.constant 8 : i32
        %mul3A_265 = arith.muli %scan3A_221, %mul3A_264 : i32
        %add3A_266 = arith.constant 5 : i32
        %add3A_267 = arith.addi %mul3A_265, %add3A_266 : i32
        %broadcast_in_dim3A_268 = vector.broadcast %add3A_267 : i32 to vector<16xi32>
        %gather3A_269 = tpu.vector_load_idx %arg13[%iota3A, %broadcast_in_dim3A_268] : memref<16x80xf32, #tpu.memory_space<vmem>>[vector<16xi32>, vector<16xi32>], vector<16xf32>,
        %swap3A_270 = arith.index_cast %add3A_267 : i32 to index
        %swap3A_271 = arith.constant 0 : index
        %swap3A_272 = tpu.vector_load %arg15[%swap3A_270, %swap3A_271] {strides = array<i32>} : memref<80x16xf32, #tpu.memory_space<vmem>>, vector<16xf32>,
        tpu.vector_store %arg15[%swap3A_270, %swap3A_271], %gather3A_269 {strides = array<i32>} : memref<80x16xf32, #tpu.memory_space<vmem>>, vector<16xf32>,
        %mul3A_273 = arith.constant 8 : i32
        %mul3A_274 = arith.muli %scan3A_221, %mul3A_273 : i32
        %add3A_275 = arith.constant 6 : i32
        %add3A_276 = arith.addi %mul3A_274, %add3A_275 : i32
        %broadcast_in_dim3A_277 = vector.broadcast %add3A_276 : i32 to vector<16xi32>
        %gather3A_278 = tpu.vector_load_idx %arg13[%iota3A, %broadcast_in_dim3A_277] : memref<16x80xf32, #tpu.memory_space<vmem>>[vector<16xi32>, vector<16xi32>], vector<16xf32>,
        %swap3A_279 = arith.index_cast %add3A_276 : i32 to index
        %swap3A_280 = arith.constant 0 : index
        %swap3A_281 = tpu.vector_load %arg15[%swap3A_279, %swap3A_280] {strides = array<i32>} : memref<80x16xf32, #tpu.memory_space<vmem>>, vector<16xf32>,
        tpu.vector_store %arg15[%swap3A_279, %swap3A_280], %gather3A_278 {strides = array<i32>} : memref<80x16xf32, #tpu.memory_space<vmem>>, vector<16xf32>,
        %mul3A_282 = arith.constant 8 : i32
        %mul3A_283 = arith.muli %scan3A_221, %mul3A_282 : i32
        %add3A_284 = arith.constant 7 : i32
        %add3A_285 = arith.addi %mul3A_283, %add3A_284 : i32
        %broadcast_in_dim3A_286 = vector.broadcast %add3A_285 : i32 to vector<16xi32>
        %gather3A_287 = tpu.vector_load_idx %arg13[%iota3A, %broadcast_in_dim3A_286] : memref<16x80xf32, #tpu.memory_space<vmem>>[vector<16xi32>, vector<16xi32>], vector<16xf32>,
        %swap3A_288 = arith.index_cast %add3A_285 : i32 to index
        %swap3A_289 = arith.constant 0 : index
        %swap3A_290 = tpu.vector_load %arg15[%swap3A_288, %swap3A_289] {strides = array<i32>} : memref<80x16xf32, #tpu.memory_space<vmem>>, vector<16xf32>,
        tpu.vector_store %arg15[%swap3A_288, %swap3A_289], %gather3A_287 {strides = array<i32>} : memref<80x16xf32, #tpu.memory_space<vmem>>, vector<16xf32>,
      }
      %scan3A_131 = arith.constant 10 : i32
      %dma_start3A_132 = arith.constant 1 : i32
      %dma_start3A_133 = arith.constant 0 : i32
      %dma_start3A_134 = tpu.memref_slice %arg9[%dma_start3A_132, %dma_start3A_133] : memref<2x80xi32, #tpu.memory_space<vmem>> -> memref<1x80xi32, #tpu.memory_space<vmem>>
      %dma_start3A_135 = tpu.memref_squeeze %dma_start3A_134 : memref<1x80xi32, #tpu.memory_space<vmem>> -> memref<80xi32, #tpu.memory_space<vmem>>
      %dma_start3A_136 = arith.constant 0 : i32
      %dma_start3A_137 = arith.constant 0 : i32
      %dma_start3A_138 = tpu.memref_slice %arg18[%dma_start3A_136, %dma_start3A_137] : memref<10000x16xf32, #tpu.memory_space<vmem_shared>> -> memref<10000x16xf32, #tpu.memory_space<vmem_shared>>
      tpu.enqueue_indirect_dma source(%arg15 : memref<80x16xf32, #tpu.memory_space<vmem>>) target(%dma_start3A_138 : memref<10000x16xf32, #tpu.memory_space<vmem_shared>>) offsets(%dma_start3A_135 : memref<80xi32, #tpu.memory_space<vmem>>) semaphore(%arg25 : memref<!tpu.dma_semaphore, #tpu.memory_space<semaphore_mem>>) {add = true}
      %dma_wait3A_139 = arith.constant 0 : i32
      %dma_wait3A_140 = arith.constant 0 : i32
      %dma_wait3A_141 = tpu.memref_slice %arg10[%dma_wait3A_139, %dma_wait3A_140] : memref<2x80xi32, #tpu.memory_space<vmem>> -> memref<1x80xi32, #tpu.memory_space<vmem>>
      %dma_wait3A_142 = tpu.memref_squeeze %dma_wait3A_141 : memref<1x80xi32, #tpu.memory_space<vmem>> -> memref<80xi32, #tpu.memory_space<vmem>>
      %dma_wait3A_143 = arith.constant 0 : i32
      %dma_wait3A_144 = arith.constant 0 : i32
      %dma_wait3A_145 = tpu.memref_slice %arg3[%dma_wait3A_143, %dma_wait3A_144] : memref<10000x128xf32, #tpu.memory_space<hbm>> -> memref<10000x128xf32, #tpu.memory_space<hbm>>
      tpu.wait_indirect_dma semaphore(%arg20 : memref<!tpu.dma_semaphore, #tpu.memory_space<semaphore_mem>>) src(%dma_wait3A_145 : memref<10000x128xf32, #tpu.memory_space<hbm>>) dst(%arg12 : memref<80x128xf32, #tpu.memory_space<vmem>>)
      %dma_start3A_146 = arith.constant 1 : i32
      %dma_start3A_147 = arith.constant 0 : i32
      %dma_start3A_148 = tpu.memref_slice %arg10[%dma_start3A_146, %dma_start3A_147] : memref<2x80xi32, #tpu.memory_space<vmem>> -> memref<1x80xi32, #tpu.memory_space<vmem>>
      %dma_start3A_149 = tpu.memref_squeeze %dma_start3A_148 : memref<1x80xi32, #tpu.memory_space<vmem>> -> memref<80xi32, #tpu.memory_space<vmem>>
      %dma_start3A_150 = arith.constant 0 : i32
      %dma_start3A_151 = arith.constant 0 : i32
      %dma_start3A_152 = tpu.memref_slice %arg17[%dma_start3A_150, %dma_start3A_151] : memref<10000x128xf32, #tpu.memory_space<vmem_shared>> -> memref<10000x128xf32, #tpu.memory_space<vmem_shared>>
      tpu.enqueue_indirect_dma source(%arg12 : memref<80x128xf32, #tpu.memory_space<vmem>>) target(%dma_start3A_152 : memref<10000x128xf32, #tpu.memory_space<vmem_shared>>) offsets(%dma_start3A_149 : memref<80xi32, #tpu.memory_space<vmem>>) semaphore(%arg24 : memref<!tpu.dma_semaphore, #tpu.memory_space<semaphore_mem>>) {add = true}
      %add3A_153 = arith.constant 1 : i32
      %add3A_154 = arith.addi %mul3A_102, %add3A_153 : i32
      %mul3A_155 = arith.constant 80 : i32
      %mul3A_156 = arith.muli %add3A_154, %mul3A_155 : i32
      %add3A_157 = arith.addi %mul3A_8, %mul3A_156 : i32
      %dma_wait3A_158 = arith.constant 0 : i32
      %dma_wait3A_159 = tpu.memref_slice %arg4[%dma_wait3A_158, %add3A_157] : memref<16x320000xf32, #tpu.memory_space<hbm>> -> memref<16x80xf32, #tpu.memory_space<hbm>>
      %dma_wait3A_160 = arith.constant 0 : i32
      %dma_wait3A_161 = tpu.memref_slice %arg4[%dma_wait3A_160, %add3A_157] : memref<16x320000xf32, #tpu.memory_space<hbm>> -> memref<16x80xf32, #tpu.memory_space<hbm>>
      tpu.wait_dma2 semaphore(%arg22 : memref<!tpu.dma_semaphore, #tpu.memory_space<semaphore_mem>>) src(%dma_wait3A_161 : memref<16x80xf32, #tpu.memory_space<hbm>>) dst(%arg14 : memref<16x80xf32, #tpu.memory_space<vmem>>)
      %scan3A_162 = arith.constant 0 : i32
      %scan3A_163 = arith.constant 0 : i32
      %scan3A_164 = arith.constant 10 : i32
      %scan3A_165 = arith.addi %scan3A_163, %scan3A_164 : i32
      %scan3A_166 = arith.constant 1 : i32
      scf.for %scan3A_221 = %scan3A_163 to %scan3A_165 step %scan3A_166  : i32 {
        %mul3A_222 = arith.constant 8 : i32
        %mul3A_223 = arith.muli %scan3A_221, %mul3A_222 : i32
        %add3A_224 = arith.constant 0 : i32
        %add3A_225 = arith.addi %mul3A_223, %add3A_224 : i32
        %broadcast_in_dim3A = vector.broadcast %add3A_225 : i32 to vector<16xi32>
        %gather3A = tpu.vector_load_idx %arg14[%iota3A, %broadcast_in_dim3A] : memref<16x80xf32, #tpu.memory_space<vmem>>[vector<16xi32>, vector<16xi32>], vector<16xf32>,
        %swap3A = arith.index_cast %add3A_225 : i32 to index
        %swap3A_226 = arith.constant 0 : index
        %swap3A_227 = tpu.vector_load %arg16[%swap3A, %swap3A_226] {strides = array<i32>} : memref<80x16xf32, #tpu.memory_space<vmem>>, vector<16xf32>,
        tpu.vector_store %arg16[%swap3A, %swap3A_226], %gather3A {strides = array<i32>} : memref<80x16xf32, #tpu.memory_space<vmem>>, vector<16xf32>,
        %mul3A_228 = arith.constant 8 : i32
        %mul3A_229 = arith.muli %scan3A_221, %mul3A_228 : i32
        %add3A_230 = arith.constant 1 : i32
        %add3A_231 = arith.addi %mul3A_229, %add3A_230 : i32
        %broadcast_in_dim3A_232 = vector.broadcast %add3A_231 : i32 to vector<16xi32>
        %gather3A_233 = tpu.vector_load_idx %arg14[%iota3A, %broadcast_in_dim3A_232] : memref<16x80xf32, #tpu.memory_space<vmem>>[vector<16xi32>, vector<16xi32>], vector<16xf32>,
        %swap3A_234 = arith.index_cast %add3A_231 : i32 to index
        %swap3A_235 = arith.constant 0 : index
        %swap3A_236 = tpu.vector_load %arg16[%swap3A_234, %swap3A_235] {strides = array<i32>} : memref<80x16xf32, #tpu.memory_space<vmem>>, vector<16xf32>,
        tpu.vector_store %arg16[%swap3A_234, %swap3A_235], %gather3A_233 {strides = array<i32>} : memref<80x16xf32, #tpu.memory_space<vmem>>, vector<16xf32>,
        %mul3A_237 = arith.constant 8 : i32
        %mul3A_238 = arith.muli %scan3A_221, %mul3A_237 : i32
        %add3A_239 = arith.constant 2 : i32
        %add3A_240 = arith.addi %mul3A_238, %add3A_239 : i32
        %broadcast_in_dim3A_241 = vector.broadcast %add3A_240 : i32 to vector<16xi32>
        %gather3A_242 = tpu.vector_load_idx %arg14[%iota3A, %broadcast_in_dim3A_241] : memref<16x80xf32, #tpu.memory_space<vmem>>[vector<16xi32>, vector<16xi32>], vector<16xf32>,
        %swap3A_243 = arith.index_cast %add3A_240 : i32 to index
        %swap3A_244 = arith.constant 0 : index
        %swap3A_245 = tpu.vector_load %arg16[%swap3A_243, %swap3A_244] {strides = array<i32>} : memref<80x16xf32, #tpu.memory_space<vmem>>, vector<16xf32>,
        tpu.vector_store %arg16[%swap3A_243, %swap3A_244], %gather3A_242 {strides = array<i32>} : memref<80x16xf32, #tpu.memory_space<vmem>>, vector<16xf32>,
        %mul3A_246 = arith.constant 8 : i32
        %mul3A_247 = arith.muli %scan3A_221, %mul3A_246 : i32
        %add3A_248 = arith.constant 3 : i32
        %add3A_249 = arith.addi %mul3A_247, %add3A_248 : i32
        %broadcast_in_dim3A_250 = vector.broadcast %add3A_249 : i32 to vector<16xi32>
        %gather3A_251 = tpu.vector_load_idx %arg14[%iota3A, %broadcast_in_dim3A_250] : memref<16x80xf32, #tpu.memory_space<vmem>>[vector<16xi32>, vector<16xi32>], vector<16xf32>,
        %swap3A_252 = arith.index_cast %add3A_249 : i32 to index
        %swap3A_253 = arith.constant 0 : index
        %swap3A_254 = tpu.vector_load %arg16[%swap3A_252, %swap3A_253] {strides = array<i32>} : memref<80x16xf32, #tpu.memory_space<vmem>>, vector<16xf32>,
        tpu.vector_store %arg16[%swap3A_252, %swap3A_253], %gather3A_251 {strides = array<i32>} : memref<80x16xf32, #tpu.memory_space<vmem>>, vector<16xf32>,
        %mul3A_255 = arith.constant 8 : i32
        %mul3A_256 = arith.muli %scan3A_221, %mul3A_255 : i32
        %add3A_257 = arith.constant 4 : i32
        %add3A_258 = arith.addi %mul3A_256, %add3A_257 : i32
        %broadcast_in_dim3A_259 = vector.broadcast %add3A_258 : i32 to vector<16xi32>
        %gather3A_260 = tpu.vector_load_idx %arg14[%iota3A, %broadcast_in_dim3A_259] : memref<16x80xf32, #tpu.memory_space<vmem>>[vector<16xi32>, vector<16xi32>], vector<16xf32>,
        %swap3A_261 = arith.index_cast %add3A_258 : i32 to index
        %swap3A_262 = arith.constant 0 : index
        %swap3A_263 = tpu.vector_load %arg16[%swap3A_261, %swap3A_262] {strides = array<i32>} : memref<80x16xf32, #tpu.memory_space<vmem>>, vector<16xf32>,
        tpu.vector_store %arg16[%swap3A_261, %swap3A_262], %gather3A_260 {strides = array<i32>} : memref<80x16xf32, #tpu.memory_space<vmem>>, vector<16xf32>,
        %mul3A_264 = arith.constant 8 : i32
        %mul3A_265 = arith.muli %scan3A_221, %mul3A_264 : i32
        %add3A_266 = arith.constant 5 : i32
        %add3A_267 = arith.addi %mul3A_265, %add3A_266 : i32
        %broadcast_in_dim3A_268 = vector.broadcast %add3A_267 : i32 to vector<16xi32>
        %gather3A_269 = tpu.vector_load_idx %arg14[%iota3A, %broadcast_in_dim3A_268] : memref<16x80xf32, #tpu.memory_space<vmem>>[vector<16xi32>, vector<16xi32>], vector<16xf32>,
        %swap3A_270 = arith.index_cast %add3A_267 : i32 to index
        %swap3A_271 = arith.constant 0 : index
        %swap3A_272 = tpu.vector_load %arg16[%swap3A_270, %swap3A_271] {strides = array<i32>} : memref<80x16xf32, #tpu.memory_space<vmem>>, vector<16xf32>,
        tpu.vector_store %arg16[%swap3A_270, %swap3A_271], %gather3A_269 {strides = array<i32>} : memref<80x16xf32, #tpu.memory_space<vmem>>, vector<16xf32>,
        %mul3A_273 = arith.constant 8 : i32
        %mul3A_274 = arith.muli %scan3A_221, %mul3A_273 : i32
        %add3A_275 = arith.constant 6 : i32
        %add3A_276 = arith.addi %mul3A_274, %add3A_275 : i32
        %broadcast_in_dim3A_277 = vector.broadcast %add3A_276 : i32 to vector<16xi32>
        %gather3A_278 = tpu.vector_load_idx %arg14[%iota3A, %broadcast_in_dim3A_277] : memref<16x80xf32, #tpu.memory_space<vmem>>[vector<16xi32>, vector<16xi32>], vector<16xf32>,
        %swap3A_279 = arith.index_cast %add3A_276 : i32 to index
        %swap3A_280 = arith.constant 0 : index
        %swap3A_281 = tpu.vector_load %arg16[%swap3A_279, %swap3A_280] {strides = array<i32>} : memref<80x16xf32, #tpu.memory_space<vmem>>, vector<16xf32>,
        tpu.vector_store %arg16[%swap3A_279, %swap3A_280], %gather3A_278 {strides = array<i32>} : memref<80x16xf32, #tpu.memory_space<vmem>>, vector<16xf32>,
        %mul3A_282 = arith.constant 8 : i32
        %mul3A_283 = arith.muli %scan3A_221, %mul3A_282 : i32
        %add3A_284 = arith.constant 7 : i32
        %add3A_285 = arith.addi %mul3A_283, %add3A_284 : i32
        %broadcast_in_dim3A_286 = vector.broadcast %add3A_285 : i32 to vector<16xi32>
        %gather3A_287 = tpu.vector_load_idx %arg14[%iota3A, %broadcast_in_dim3A_286] : memref<16x80xf32, #tpu.memory_space<vmem>>[vector<16xi32>, vector<16xi32>], vector<16xf32>,
        %swap3A_288 = arith.index_cast %add3A_285 : i32 to index
        %swap3A_289 = arith.constant 0 : index
        %swap3A_290 = tpu.vector_load %arg16[%swap3A_288, %swap3A_289] {strides = array<i32>} : memref<80x16xf32, #tpu.memory_space<vmem>>, vector<16xf32>,
        tpu.vector_store %arg16[%swap3A_288, %swap3A_289], %gather3A_287 {strides = array<i32>} : memref<80x16xf32, #tpu.memory_space<vmem>>, vector<16xf32>,
      }
      %scan3A_167 = arith.constant 10 : i32
      %dma_start3A_168 = arith.constant 1 : i32
      %dma_start3A_169 = arith.constant 0 : i32
      %dma_start3A_170 = tpu.memref_slice %arg10[%dma_start3A_168, %dma_start3A_169] : memref<2x80xi32, #tpu.memory_space<vmem>> -> memref<1x80xi32, #tpu.memory_space<vmem>>
      %dma_start3A_171 = tpu.memref_squeeze %dma_start3A_170 : memref<1x80xi32, #tpu.memory_space<vmem>> -> memref<80xi32, #tpu.memory_space<vmem>>
      %dma_start3A_172 = arith.constant 0 : i32
      %dma_start3A_173 = arith.constant 0 : i32
      %dma_start3A_174 = tpu.memref_slice %arg18[%dma_start3A_172, %dma_start3A_173] : memref<10000x16xf32, #tpu.memory_space<vmem_shared>> -> memref<10000x16xf32, #tpu.memory_space<vmem_shared>>
      tpu.enqueue_indirect_dma source(%arg16 : memref<80x16xf32, #tpu.memory_space<vmem>>) target(%dma_start3A_174 : memref<10000x16xf32, #tpu.memory_space<vmem_shared>>) offsets(%dma_start3A_171 : memref<80xi32, #tpu.memory_space<vmem>>) semaphore(%arg26 : memref<!tpu.dma_semaphore, #tpu.memory_space<semaphore_mem>>) {add = true}
      %dma_wait3A_175 = arith.constant 1 : i32
      %dma_wait3A_176 = arith.constant 0 : i32
      %dma_wait3A_177 = tpu.memref_slice %arg9[%dma_wait3A_175, %dma_wait3A_176] : memref<2x80xi32, #tpu.memory_space<vmem>> -> memref<1x80xi32, #tpu.memory_space<vmem>>
      %dma_wait3A_178 = tpu.memref_squeeze %dma_wait3A_177 : memref<1x80xi32, #tpu.memory_space<vmem>> -> memref<80xi32, #tpu.memory_space<vmem>>
      %dma_wait3A_179 = arith.constant 0 : i32
      %dma_wait3A_180 = arith.constant 0 : i32
      %dma_wait3A_181 = tpu.memref_slice %arg17[%dma_wait3A_179, %dma_wait3A_180] : memref<10000x128xf32, #tpu.memory_space<vmem_shared>> -> memref<10000x128xf32, #tpu.memory_space<vmem_shared>>
      tpu.wait_indirect_dma semaphore(%arg23 : memref<!tpu.dma_semaphore, #tpu.memory_space<semaphore_mem>>) src(%arg11 : memref<80x128xf32, #tpu.memory_space<vmem>>) dst(%dma_wait3A_181 : memref<10000x128xf32, #tpu.memory_space<vmem_shared>>)
      %dma_wait3A_182 = arith.constant 1 : i32
      %dma_wait3A_183 = arith.constant 0 : i32
      %dma_wait3A_184 = tpu.memref_slice %arg9[%dma_wait3A_182, %dma_wait3A_183] : memref<2x80xi32, #tpu.memory_space<vmem>> -> memref<1x80xi32, #tpu.memory_space<vmem>>
      %dma_wait3A_185 = tpu.memref_squeeze %dma_wait3A_184 : memref<1x80xi32, #tpu.memory_space<vmem>> -> memref<80xi32, #tpu.memory_space<vmem>>
      %dma_wait3A_186 = arith.constant 0 : i32
      %dma_wait3A_187 = arith.constant 0 : i32
      %dma_wait3A_188 = tpu.memref_slice %arg18[%dma_wait3A_186, %dma_wait3A_187] : memref<10000x16xf32, #tpu.memory_space<vmem_shared>> -> memref<10000x16xf32, #tpu.memory_space<vmem_shared>>
      tpu.wait_indirect_dma semaphore(%arg25 : memref<!tpu.dma_semaphore, #tpu.memory_space<semaphore_mem>>) src(%arg15 : memref<80x16xf32, #tpu.memory_space<vmem>>) dst(%dma_wait3A_188 : memref<10000x16xf32, #tpu.memory_space<vmem_shared>>)
      %add3A_189 = arith.constant 0 : i32
      %add3A_190 = arith.addi %mul3A_102, %add3A_189 : i32
      %add3A_191 = arith.constant 2 : i32
      %add3A_192 = arith.addi %add3A_190, %add3A_191 : i32
      %lt3A_193 = arith.constant 125 : i32
      %lt3A_194 = arith.cmpi slt, %add3A_192, %lt3A_193 : i32
      %convert_element_type3A_195 = arith.extui %lt3A_194 : i1 to i32
      %cond3A_196 = arith.constant 0 : i32
      %cond3A_197 = arith.cmpi ne, %convert_element_type3A_195, %cond3A_196 : i32
      scf.if %cond3A_197 {
        %mul3A_221 = arith.constant 80 : i32
        %mul3A_222 = arith.muli %add3A_192, %mul3A_221 : i32
        %add3A_223 = arith.addi %mul3A_8, %mul3A_222 : i32
        "tpu.region"() ({
          %run_scoped3A = tpu.sem_alloc : memref<!tpu.dma_semaphore, #tpu.memory_space<semaphore_mem>>
          %dma_start3A_238 = arith.constant 0 : i32
          %dma_start3A_239 = tpu.memref_slice %arg2[%dma_start3A_238, %add3A_223] : memref<2x320000xi32, #tpu.memory_space<hbm>> -> memref<2x80xi32, #tpu.memory_space<hbm>>
          %dma_start3A_240 = arith.constant 0 : i32
          %dma_start3A_241 = tpu.memref_slice %arg2[%dma_start3A_240, %add3A_223] : memref<2x320000xi32, #tpu.memory_space<hbm>> -> memref<2x80xi32, #tpu.memory_space<hbm>>
          tpu.enqueue_dma source(%dma_start3A_241 : memref<2x80xi32, #tpu.memory_space<hbm>>) target(%arg9 : memref<2x80xi32, #tpu.memory_space<vmem>>) target_semaphore(%run_scoped3A : memref<!tpu.dma_semaphore, #tpu.memory_space<semaphore_mem>>)
          %dma_wait3A_242 = arith.constant 0 : i32
          %dma_wait3A_243 = tpu.memref_slice %arg2[%dma_wait3A_242, %add3A_223] : memref<2x320000xi32, #tpu.memory_space<hbm>> -> memref<2x80xi32, #tpu.memory_space<hbm>>
          %dma_wait3A_244 = arith.constant 0 : i32
          %dma_wait3A_245 = tpu.memref_slice %arg2[%dma_wait3A_244, %add3A_223] : memref<2x320000xi32, #tpu.memory_space<hbm>> -> memref<2x80xi32, #tpu.memory_space<hbm>>
          tpu.wait_dma2 semaphore(%run_scoped3A : memref<!tpu.dma_semaphore, #tpu.memory_space<semaphore_mem>>) src(%dma_wait3A_245 : memref<2x80xi32, #tpu.memory_space<hbm>>) dst(%arg9 : memref<2x80xi32, #tpu.memory_space<vmem>>)
          tpu.yield
        }) : () -> ()
        %dma_start3A_224 = arith.constant 0 : i32
        %dma_start3A_225 = arith.constant 0 : i32
        %dma_start3A_226 = tpu.memref_slice %arg9[%dma_start3A_224, %dma_start3A_225] : memref<2x80xi32, #tpu.memory_space<vmem>> -> memref<1x80xi32, #tpu.memory_space<vmem>>
        %dma_start3A_227 = tpu.memref_squeeze %dma_start3A_226 : memref<1x80xi32, #tpu.memory_space<vmem>> -> memref<80xi32, #tpu.memory_space<vmem>>
        %dma_start3A_228 = arith.constant 0 : i32
        %dma_start3A_229 = arith.constant 0 : i32
        %dma_start3A_230 = tpu.memref_slice %arg3[%dma_start3A_228, %dma_start3A_229] : memref<10000x128xf32, #tpu.memory_space<hbm>> -> memref<10000x128xf32, #tpu.memory_space<hbm>>
        tpu.enqueue_indirect_dma source(%dma_start3A_230 : memref<10000x128xf32, #tpu.memory_space<hbm>>) target(%arg11 : memref<80x128xf32, #tpu.memory_space<vmem>>) offsets(%dma_start3A_227 : memref<80xi32, #tpu.memory_space<vmem>>) semaphore(%arg19 : memref<!tpu.dma_semaphore, #tpu.memory_space<semaphore_mem>>)
        %mul3A_231 = arith.constant 80 : i32
        %mul3A_232 = arith.muli %add3A_192, %mul3A_231 : i32
        %add3A_233 = arith.addi %mul3A_8, %mul3A_232 : i32
        %dma_start3A_234 = arith.constant 0 : i32
        %dma_start3A_235 = tpu.memref_slice %arg4[%dma_start3A_234, %add3A_233] : memref<16x320000xf32, #tpu.memory_space<hbm>> -> memref<16x80xf32, #tpu.memory_space<hbm>>
        %dma_start3A_236 = arith.constant 0 : i32
        %dma_start3A_237 = tpu.memref_slice %arg4[%dma_start3A_236, %add3A_233] : memref<16x320000xf32, #tpu.memory_space<hbm>> -> memref<16x80xf32, #tpu.memory_space<hbm>>
        tpu.enqueue_dma source(%dma_start3A_237 : memref<16x80xf32, #tpu.memory_space<hbm>>) target(%arg13 : memref<16x80xf32, #tpu.memory_space<vmem>>) target_semaphore(%arg21 : memref<!tpu.dma_semaphore, #tpu.memory_space<semaphore_mem>>)
      } else {
      }
      %dma_wait3A_198 = arith.constant 1 : i32
      %dma_wait3A_199 = arith.constant 0 : i32
      %dma_wait3A_200 = tpu.memref_slice %arg10[%dma_wait3A_198, %dma_wait3A_199] : memref<2x80xi32, #tpu.memory_space<vmem>> -> memref<1x80xi32, #tpu.memory_space<vmem>>
      %dma_wait3A_201 = tpu.memref_squeeze %dma_wait3A_200 : memref<1x80xi32, #tpu.memory_space<vmem>> -> memref<80xi32, #tpu.memory_space<vmem>>
      %dma_wait3A_202 = arith.constant 0 : i32
      %dma_wait3A_203 = arith.constant 0 : i32
      %dma_wait3A_204 = tpu.memref_slice %arg17[%dma_wait3A_202, %dma_wait3A_203] : memref<10000x128xf32, #tpu.memory_space<vmem_shared>> -> memref<10000x128xf32, #tpu.memory_space<vmem_shared>>
      tpu.wait_indirect_dma semaphore(%arg24 : memref<!tpu.dma_semaphore, #tpu.memory_space<semaphore_mem>>) src(%arg12 : memref<80x128xf32, #tpu.memory_space<vmem>>) dst(%dma_wait3A_204 : memref<10000x128xf32, #tpu.memory_space<vmem_shared>>)
      %dma_wait3A_205 = arith.constant 1 : i32
      %dma_wait3A_206 = arith.constant 0 : i32
      %dma_wait3A_207 = tpu.memref_slice %arg10[%dma_wait3A_205, %dma_wait3A_206] : memref<2x80xi32, #tpu.memory_space<vmem>> -> memref<1x80xi32, #tpu.memory_space<vmem>>
      %dma_wait3A_208 = tpu.memref_squeeze %dma_wait3A_207 : memref<1x80xi32, #tpu.memory_space<vmem>> -> memref<80xi32, #tpu.memory_space<vmem>>
      %dma_wait3A_209 = arith.constant 0 : i32
      %dma_wait3A_210 = arith.constant 0 : i32
      %dma_wait3A_211 = tpu.memref_slice %arg18[%dma_wait3A_209, %dma_wait3A_210] : memref<10000x16xf32, #tpu.memory_space<vmem_shared>> -> memref<10000x16xf32, #tpu.memory_space<vmem_shared>>
      tpu.wait_indirect_dma semaphore(%arg26 : memref<!tpu.dma_semaphore, #tpu.memory_space<semaphore_mem>>) src(%arg16 : memref<80x16xf32, #tpu.memory_space<vmem>>) dst(%dma_wait3A_211 : memref<10000x16xf32, #tpu.memory_space<vmem_shared>>)
      %add3A_212 = arith.constant 1 : i32
      %add3A_213 = arith.addi %mul3A_102, %add3A_212 : i32
      %add3A_214 = arith.constant 2 : i32
      %add3A_215 = arith.addi %add3A_213, %add3A_214 : i32
      %lt3A_216 = arith.constant 125 : i32
      %lt3A_217 = arith.cmpi slt, %add3A_215, %lt3A_216 : i32
      %convert_element_type3A_218 = arith.extui %lt3A_217 : i1 to i32
      %cond3A_219 = arith.constant 0 : i32
      %cond3A_220 = arith.cmpi ne, %convert_element_type3A_218, %cond3A_219 : i32
      scf.if %cond3A_220 {
        %mul3A_221 = arith.constant 80 : i32
        %mul3A_222 = arith.muli %add3A_215, %mul3A_221 : i32
        %add3A_223 = arith.addi %mul3A_8, %mul3A_222 : i32
        "tpu.region"() ({
          %run_scoped3A = tpu.sem_alloc : memref<!tpu.dma_semaphore, #tpu.memory_space<semaphore_mem>>
          %dma_start3A_238 = arith.constant 0 : i32
          %dma_start3A_239 = tpu.memref_slice %arg2[%dma_start3A_238, %add3A_223] : memref<2x320000xi32, #tpu.memory_space<hbm>> -> memref<2x80xi32, #tpu.memory_space<hbm>>
          %dma_start3A_240 = arith.constant 0 : i32
          %dma_start3A_241 = tpu.memref_slice %arg2[%dma_start3A_240, %add3A_223] : memref<2x320000xi32, #tpu.memory_space<hbm>> -> memref<2x80xi32, #tpu.memory_space<hbm>>
          tpu.enqueue_dma source(%dma_start3A_241 : memref<2x80xi32, #tpu.memory_space<hbm>>) target(%arg10 : memref<2x80xi32, #tpu.memory_space<vmem>>) target_semaphore(%run_scoped3A : memref<!tpu.dma_semaphore, #tpu.memory_space<semaphore_mem>>)
          %dma_wait3A_242 = arith.constant 0 : i32
          %dma_wait3A_243 = tpu.memref_slice %arg2[%dma_wait3A_242, %add3A_223] : memref<2x320000xi32, #tpu.memory_space<hbm>> -> memref<2x80xi32, #tpu.memory_space<hbm>>
          %dma_wait3A_244 = arith.constant 0 : i32
          %dma_wait3A_245 = tpu.memref_slice %arg2[%dma_wait3A_244, %add3A_223] : memref<2x320000xi32, #tpu.memory_space<hbm>> -> memref<2x80xi32, #tpu.memory_space<hbm>>
          tpu.wait_dma2 semaphore(%run_scoped3A : memref<!tpu.dma_semaphore, #tpu.memory_space<semaphore_mem>>) src(%dma_wait3A_245 : memref<2x80xi32, #tpu.memory_space<hbm>>) dst(%arg10 : memref<2x80xi32, #tpu.memory_space<vmem>>)
          tpu.yield
        }) : () -> ()
        %dma_start3A_224 = arith.constant 0 : i32
        %dma_start3A_225 = arith.constant 0 : i32
        %dma_start3A_226 = tpu.memref_slice %arg10[%dma_start3A_224, %dma_start3A_225] : memref<2x80xi32, #tpu.memory_space<vmem>> -> memref<1x80xi32, #tpu.memory_space<vmem>>
        %dma_start3A_227 = tpu.memref_squeeze %dma_start3A_226 : memref<1x80xi32, #tpu.memory_space<vmem>> -> memref<80xi32, #tpu.memory_space<vmem>>
        %dma_start3A_228 = arith.constant 0 : i32
        %dma_start3A_229 = arith.constant 0 : i32
        %dma_start3A_230 = tpu.memref_slice %arg3[%dma_start3A_228, %dma_start3A_229] : memref<10000x128xf32, #tpu.memory_space<hbm>> -> memref<10000x128xf32, #tpu.memory_space<hbm>>
        tpu.enqueue_indirect_dma source(%dma_start3A_230 : memref<10000x128xf32, #tpu.memory_space<hbm>>) target(%arg12 : memref<80x128xf32, #tpu.memory_space<vmem>>) offsets(%dma_start3A_227 : memref<80xi32, #tpu.memory_space<vmem>>) semaphore(%arg20 : memref<!tpu.dma_semaphore, #tpu.memory_space<semaphore_mem>>)
        %mul3A_231 = arith.constant 80 : i32
        %mul3A_232 = arith.muli %add3A_215, %mul3A_231 : i32
        %add3A_233 = arith.addi %mul3A_8, %mul3A_232 : i32
        %dma_start3A_234 = arith.constant 0 : i32
        %dma_start3A_235 = tpu.memref_slice %arg4[%dma_start3A_234, %add3A_233] : memref<16x320000xf32, #tpu.memory_space<hbm>> -> memref<16x80xf32, #tpu.memory_space<hbm>>
        %dma_start3A_236 = arith.constant 0 : i32
        %dma_start3A_237 = tpu.memref_slice %arg4[%dma_start3A_236, %add3A_233] : memref<16x320000xf32, #tpu.memory_space<hbm>> -> memref<16x80xf32, #tpu.memory_space<hbm>>
        tpu.enqueue_dma source(%dma_start3A_237 : memref<16x80xf32, #tpu.memory_space<hbm>>) target(%arg14 : memref<16x80xf32, #tpu.memory_space<vmem>>) target_semaphore(%arg22 : memref<!tpu.dma_semaphore, #tpu.memory_space<semaphore_mem>>)
      } else {
      }
    }
    %scan3A_42 = arith.constant 62 : i32
    %dma_wait3A = arith.constant 0 : i32
    %dma_wait3A_43 = arith.constant 0 : i32
    %dma_wait3A_44 = tpu.memref_slice %arg9[%dma_wait3A, %dma_wait3A_43] : memref<2x80xi32, #tpu.memory_space<vmem>> -> memref<1x80xi32, #tpu.memory_space<vmem>>
    %dma_wait3A_45 = tpu.memref_squeeze %dma_wait3A_44 : memref<1x80xi32, #tpu.memory_space<vmem>> -> memref<80xi32, #tpu.memory_space<vmem>>
    %dma_wait3A_46 = arith.constant 0 : i32
    %dma_wait3A_47 = arith.constant 0 : i32
    %dma_wait3A_48 = tpu.memref_slice %arg3[%dma_wait3A_46, %dma_wait3A_47] : memref<10000x128xf32, #tpu.memory_space<hbm>> -> memref<10000x128xf32, #tpu.memory_space<hbm>>
    tpu.wait_indirect_dma semaphore(%arg19 : memref<!tpu.dma_semaphore, #tpu.memory_space<semaphore_mem>>) src(%dma_wait3A_48 : memref<10000x128xf32, #tpu.memory_space<hbm>>) dst(%arg11 : memref<80x128xf32, #tpu.memory_space<vmem>>)
    %dma_start3A_49 = arith.constant 1 : i32
    %dma_start3A_50 = arith.constant 0 : i32
    %dma_start3A_51 = tpu.memref_slice %arg9[%dma_start3A_49, %dma_start3A_50] : memref<2x80xi32, #tpu.memory_space<vmem>> -> memref<1x80xi32, #tpu.memory_space<vmem>>
    %dma_start3A_52 = tpu.memref_squeeze %dma_start3A_51 : memref<1x80xi32, #tpu.memory_space<vmem>> -> memref<80xi32, #tpu.memory_space<vmem>>
    %dma_start3A_53 = arith.constant 0 : i32
    %dma_start3A_54 = arith.constant 0 : i32
    %dma_start3A_55 = tpu.memref_slice %arg17[%dma_start3A_53, %dma_start3A_54] : memref<10000x128xf32, #tpu.memory_space<vmem_shared>> -> memref<10000x128xf32, #tpu.memory_space<vmem_shared>>
    tpu.enqueue_indirect_dma source(%arg11 : memref<80x128xf32, #tpu.memory_space<vmem>>) target(%dma_start3A_55 : memref<10000x128xf32, #tpu.memory_space<vmem_shared>>) offsets(%dma_start3A_52 : memref<80xi32, #tpu.memory_space<vmem>>) semaphore(%arg23 : memref<!tpu.dma_semaphore, #tpu.memory_space<semaphore_mem>>) {add = true}
    %add3A_56 = arith.constant 9920 : i32
    %add3A_57 = arith.addi %mul3A_8, %add3A_56 : i32
    %dma_wait3A_58 = arith.constant 0 : i32
    %dma_wait3A_59 = tpu.memref_slice %arg4[%dma_wait3A_58, %add3A_57] : memref<16x320000xf32, #tpu.memory_space<hbm>> -> memref<16x80xf32, #tpu.memory_space<hbm>>
    %dma_wait3A_60 = arith.constant 0 : i32
    %dma_wait3A_61 = tpu.memref_slice %arg4[%dma_wait3A_60, %add3A_57] : memref<16x320000xf32, #tpu.memory_space<hbm>> -> memref<16x80xf32, #tpu.memory_space<hbm>>
    tpu.wait_dma2 semaphore(%arg21 : memref<!tpu.dma_semaphore, #tpu.memory_space<semaphore_mem>>) src(%dma_wait3A_61 : memref<16x80xf32, #tpu.memory_space<hbm>>) dst(%arg13 : memref<16x80xf32, #tpu.memory_space<vmem>>)
    %scan3A_62 = arith.constant 0 : i32
    %scan3A_63 = arith.constant 0 : i32
    %scan3A_64 = arith.constant 10 : i32
    %scan3A_65 = arith.addi %scan3A_63, %scan3A_64 : i32
    %scan3A_66 = arith.constant 1 : i32
    scf.for %scan3A_100 = %scan3A_63 to %scan3A_65 step %scan3A_66  : i32 {
      %mul3A_101 = arith.constant 8 : i32
      %mul3A_102 = arith.muli %scan3A_100, %mul3A_101 : i32
      %add3A_103 = arith.constant 0 : i32
      %add3A_104 = arith.addi %mul3A_102, %add3A_103 : i32
      %broadcast_in_dim3A = vector.broadcast %add3A_104 : i32 to vector<16xi32>
      %gather3A = tpu.vector_load_idx %arg13[%iota3A, %broadcast_in_dim3A] : memref<16x80xf32, #tpu.memory_space<vmem>>[vector<16xi32>, vector<16xi32>], vector<16xf32>,
      %swap3A = arith.index_cast %add3A_104 : i32 to index
      %swap3A_105 = arith.constant 0 : index
      %swap3A_106 = tpu.vector_load %arg15[%swap3A, %swap3A_105] {strides = array<i32>} : memref<80x16xf32, #tpu.memory_space<vmem>>, vector<16xf32>,
      tpu.vector_store %arg15[%swap3A, %swap3A_105], %gather3A {strides = array<i32>} : memref<80x16xf32, #tpu.memory_space<vmem>>, vector<16xf32>,
      %mul3A_107 = arith.constant 8 : i32
      %mul3A_108 = arith.muli %scan3A_100, %mul3A_107 : i32
      %add3A_109 = arith.constant 1 : i32
      %add3A_110 = arith.addi %mul3A_108, %add3A_109 : i32
      %broadcast_in_dim3A_111 = vector.broadcast %add3A_110 : i32 to vector<16xi32>
      %gather3A_112 = tpu.vector_load_idx %arg13[%iota3A, %broadcast_in_dim3A_111] : memref<16x80xf32, #tpu.memory_space<vmem>>[vector<16xi32>, vector<16xi32>], vector<16xf32>,
      %swap3A_113 = arith.index_cast %add3A_110 : i32 to index
      %swap3A_114 = arith.constant 0 : index
      %swap3A_115 = tpu.vector_load %arg15[%swap3A_113, %swap3A_114] {strides = array<i32>} : memref<80x16xf32, #tpu.memory_space<vmem>>, vector<16xf32>,
      tpu.vector_store %arg15[%swap3A_113, %swap3A_114], %gather3A_112 {strides = array<i32>} : memref<80x16xf32, #tpu.memory_space<vmem>>, vector<16xf32>,
      %mul3A_116 = arith.constant 8 : i32
      %mul3A_117 = arith.muli %scan3A_100, %mul3A_116 : i32
      %add3A_118 = arith.constant 2 : i32
      %add3A_119 = arith.addi %mul3A_117, %add3A_118 : i32
      %broadcast_in_dim3A_120 = vector.broadcast %add3A_119 : i32 to vector<16xi32>
      %gather3A_121 = tpu.vector_load_idx %arg13[%iota3A, %broadcast_in_dim3A_120] : memref<16x80xf32, #tpu.memory_space<vmem>>[vector<16xi32>, vector<16xi32>], vector<16xf32>,
      %swap3A_122 = arith.index_cast %add3A_119 : i32 to index
      %swap3A_123 = arith.constant 0 : index
      %swap3A_124 = tpu.vector_load %arg15[%swap3A_122, %swap3A_123] {strides = array<i32>} : memref<80x16xf32, #tpu.memory_space<vmem>>, vector<16xf32>,
      tpu.vector_store %arg15[%swap3A_122, %swap3A_123], %gather3A_121 {strides = array<i32>} : memref<80x16xf32, #tpu.memory_space<vmem>>, vector<16xf32>,
      %mul3A_125 = arith.constant 8 : i32
      %mul3A_126 = arith.muli %scan3A_100, %mul3A_125 : i32
      %add3A_127 = arith.constant 3 : i32
      %add3A_128 = arith.addi %mul3A_126, %add3A_127 : i32
      %broadcast_in_dim3A_129 = vector.broadcast %add3A_128 : i32 to vector<16xi32>
      %gather3A_130 = tpu.vector_load_idx %arg13[%iota3A, %broadcast_in_dim3A_129] : memref<16x80xf32, #tpu.memory_space<vmem>>[vector<16xi32>, vector<16xi32>], vector<16xf32>,
      %swap3A_131 = arith.index_cast %add3A_128 : i32 to index
      %swap3A_132 = arith.constant 0 : index
      %swap3A_133 = tpu.vector_load %arg15[%swap3A_131, %swap3A_132] {strides = array<i32>} : memref<80x16xf32, #tpu.memory_space<vmem>>, vector<16xf32>,
      tpu.vector_store %arg15[%swap3A_131, %swap3A_132], %gather3A_130 {strides = array<i32>} : memref<80x16xf32, #tpu.memory_space<vmem>>, vector<16xf32>,
      %mul3A_134 = arith.constant 8 : i32
      %mul3A_135 = arith.muli %scan3A_100, %mul3A_134 : i32
      %add3A_136 = arith.constant 4 : i32
      %add3A_137 = arith.addi %mul3A_135, %add3A_136 : i32
      %broadcast_in_dim3A_138 = vector.broadcast %add3A_137 : i32 to vector<16xi32>
      %gather3A_139 = tpu.vector_load_idx %arg13[%iota3A, %broadcast_in_dim3A_138] : memref<16x80xf32, #tpu.memory_space<vmem>>[vector<16xi32>, vector<16xi32>], vector<16xf32>,
      %swap3A_140 = arith.index_cast %add3A_137 : i32 to index
      %swap3A_141 = arith.constant 0 : index
      %swap3A_142 = tpu.vector_load %arg15[%swap3A_140, %swap3A_141] {strides = array<i32>} : memref<80x16xf32, #tpu.memory_space<vmem>>, vector<16xf32>,
      tpu.vector_store %arg15[%swap3A_140, %swap3A_141], %gather3A_139 {strides = array<i32>} : memref<80x16xf32, #tpu.memory_space<vmem>>, vector<16xf32>,
      %mul3A_143 = arith.constant 8 : i32
      %mul3A_144 = arith.muli %scan3A_100, %mul3A_143 : i32
      %add3A_145 = arith.constant 5 : i32
      %add3A_146 = arith.addi %mul3A_144, %add3A_145 : i32
      %broadcast_in_dim3A_147 = vector.broadcast %add3A_146 : i32 to vector<16xi32>
      %gather3A_148 = tpu.vector_load_idx %arg13[%iota3A, %broadcast_in_dim3A_147] : memref<16x80xf32, #tpu.memory_space<vmem>>[vector<16xi32>, vector<16xi32>], vector<16xf32>,
      %swap3A_149 = arith.index_cast %add3A_146 : i32 to index
      %swap3A_150 = arith.constant 0 : index
      %swap3A_151 = tpu.vector_load %arg15[%swap3A_149, %swap3A_150] {strides = array<i32>} : memref<80x16xf32, #tpu.memory_space<vmem>>, vector<16xf32>,
      tpu.vector_store %arg15[%swap3A_149, %swap3A_150], %gather3A_148 {strides = array<i32>} : memref<80x16xf32, #tpu.memory_space<vmem>>, vector<16xf32>,
      %mul3A_152 = arith.constant 8 : i32
      %mul3A_153 = arith.muli %scan3A_100, %mul3A_152 : i32
      %add3A_154 = arith.constant 6 : i32
      %add3A_155 = arith.addi %mul3A_153, %add3A_154 : i32
      %broadcast_in_dim3A_156 = vector.broadcast %add3A_155 : i32 to vector<16xi32>
      %gather3A_157 = tpu.vector_load_idx %arg13[%iota3A, %broadcast_in_dim3A_156] : memref<16x80xf32, #tpu.memory_space<vmem>>[vector<16xi32>, vector<16xi32>], vector<16xf32>,
      %swap3A_158 = arith.index_cast %add3A_155 : i32 to index
      %swap3A_159 = arith.constant 0 : index
      %swap3A_160 = tpu.vector_load %arg15[%swap3A_158, %swap3A_159] {strides = array<i32>} : memref<80x16xf32, #tpu.memory_space<vmem>>, vector<16xf32>,
      tpu.vector_store %arg15[%swap3A_158, %swap3A_159], %gather3A_157 {strides = array<i32>} : memref<80x16xf32, #tpu.memory_space<vmem>>, vector<16xf32>,
      %mul3A_161 = arith.constant 8 : i32
      %mul3A_162 = arith.muli %scan3A_100, %mul3A_161 : i32
      %add3A_163 = arith.constant 7 : i32
      %add3A_164 = arith.addi %mul3A_162, %add3A_163 : i32
      %broadcast_in_dim3A_165 = vector.broadcast %add3A_164 : i32 to vector<16xi32>
      %gather3A_166 = tpu.vector_load_idx %arg13[%iota3A, %broadcast_in_dim3A_165] : memref<16x80xf32, #tpu.memory_space<vmem>>[vector<16xi32>, vector<16xi32>], vector<16xf32>,
      %swap3A_167 = arith.index_cast %add3A_164 : i32 to index
      %swap3A_168 = arith.constant 0 : index
      %swap3A_169 = tpu.vector_load %arg15[%swap3A_167, %swap3A_168] {strides = array<i32>} : memref<80x16xf32, #tpu.memory_space<vmem>>, vector<16xf32>,
      tpu.vector_store %arg15[%swap3A_167, %swap3A_168], %gather3A_166 {strides = array<i32>} : memref<80x16xf32, #tpu.memory_space<vmem>>, vector<16xf32>,
    }
    %scan3A_67 = arith.constant 10 : i32
    %dma_start3A_68 = arith.constant 1 : i32
    %dma_start3A_69 = arith.constant 0 : i32
    %dma_start3A_70 = tpu.memref_slice %arg9[%dma_start3A_68, %dma_start3A_69] : memref<2x80xi32, #tpu.memory_space<vmem>> -> memref<1x80xi32, #tpu.memory_space<vmem>>
    %dma_start3A_71 = tpu.memref_squeeze %dma_start3A_70 : memref<1x80xi32, #tpu.memory_space<vmem>> -> memref<80xi32, #tpu.memory_space<vmem>>
    %dma_start3A_72 = arith.constant 0 : i32
    %dma_start3A_73 = arith.constant 0 : i32
    %dma_start3A_74 = tpu.memref_slice %arg18[%dma_start3A_72, %dma_start3A_73] : memref<10000x16xf32, #tpu.memory_space<vmem_shared>> -> memref<10000x16xf32, #tpu.memory_space<vmem_shared>>
    tpu.enqueue_indirect_dma source(%arg15 : memref<80x16xf32, #tpu.memory_space<vmem>>) target(%dma_start3A_74 : memref<10000x16xf32, #tpu.memory_space<vmem_shared>>) offsets(%dma_start3A_71 : memref<80xi32, #tpu.memory_space<vmem>>) semaphore(%arg25 : memref<!tpu.dma_semaphore, #tpu.memory_space<semaphore_mem>>) {add = true}
    %dma_wait3A_75 = arith.constant 1 : i32
    %dma_wait3A_76 = arith.constant 0 : i32
    %dma_wait3A_77 = tpu.memref_slice %arg9[%dma_wait3A_75, %dma_wait3A_76] : memref<2x80xi32, #tpu.memory_space<vmem>> -> memref<1x80xi32, #tpu.memory_space<vmem>>
    %dma_wait3A_78 = tpu.memref_squeeze %dma_wait3A_77 : memref<1x80xi32, #tpu.memory_space<vmem>> -> memref<80xi32, #tpu.memory_space<vmem>>
    %dma_wait3A_79 = arith.constant 0 : i32
    %dma_wait3A_80 = arith.constant 0 : i32
    %dma_wait3A_81 = tpu.memref_slice %arg17[%dma_wait3A_79, %dma_wait3A_80] : memref<10000x128xf32, #tpu.memory_space<vmem_shared>> -> memref<10000x128xf32, #tpu.memory_space<vmem_shared>>
    tpu.wait_indirect_dma semaphore(%arg23 : memref<!tpu.dma_semaphore, #tpu.memory_space<semaphore_mem>>) src(%arg11 : memref<80x128xf32, #tpu.memory_space<vmem>>) dst(%dma_wait3A_81 : memref<10000x128xf32, #tpu.memory_space<vmem_shared>>)
    %dma_wait3A_82 = arith.constant 1 : i32
    %dma_wait3A_83 = arith.constant 0 : i32
    %dma_wait3A_84 = tpu.memref_slice %arg9[%dma_wait3A_82, %dma_wait3A_83] : memref<2x80xi32, #tpu.memory_space<vmem>> -> memref<1x80xi32, #tpu.memory_space<vmem>>
    %dma_wait3A_85 = tpu.memref_squeeze %dma_wait3A_84 : memref<1x80xi32, #tpu.memory_space<vmem>> -> memref<80xi32, #tpu.memory_space<vmem>>
    %dma_wait3A_86 = arith.constant 0 : i32
    %dma_wait3A_87 = arith.constant 0 : i32
    %dma_wait3A_88 = tpu.memref_slice %arg18[%dma_wait3A_86, %dma_wait3A_87] : memref<10000x16xf32, #tpu.memory_space<vmem_shared>> -> memref<10000x16xf32, #tpu.memory_space<vmem_shared>>
    tpu.wait_indirect_dma semaphore(%arg25 : memref<!tpu.dma_semaphore, #tpu.memory_space<semaphore_mem>>) src(%arg15 : memref<80x16xf32, #tpu.memory_space<vmem>>) dst(%dma_wait3A_88 : memref<10000x16xf32, #tpu.memory_space<vmem_shared>>)
    %barrier3A_89 = arith.constant 0 : index
    tpu.barrier barrier_id(%barrier3A_89)
    %lt3A_90 = arith.constant 15 : i32
    %lt3A_91 = arith.cmpi slt, %arg1, %lt3A_90 : i32
    %convert_element_type3A_92 = arith.extui %lt3A_91 : i1 to i32
    %cond3A_93 = arith.constant 0 : i32
    %cond3A_94 = arith.cmpi ne, %convert_element_type3A_92, %cond3A_93 : i32
    scf.if %cond3A_94 {
      %mul3A_100 = arith.constant 640 : i32
      %mul3A_101 = arith.muli %arg1, %mul3A_100 : i32
      %mul3A_102 = arith.constant 640 : i32
      %mul3A_103 = arith.muli %arg1, %mul3A_102 : i32
      "tpu.region"() ({
        %run_scoped3A = tpu.sem_alloc : memref<!tpu.dma_semaphore, #tpu.memory_space<semaphore_mem>>
        %dma_start3A_108 = arith.constant 0 : i32
        %dma_start3A_109 = tpu.memref_slice %arg7[%arg0, %mul3A_103, %dma_start3A_108] : memref<2x10000x128xf32, #tpu.memory_space<hbm>> -> memref<1x640x128xf32, #tpu.memory_space<hbm>>
        %dma_start3A_110 = tpu.memref_squeeze %dma_start3A_109 : memref<1x640x128xf32, #tpu.memory_space<hbm>> -> memref<640x128xf32, #tpu.memory_space<hbm>>
        %dma_start3A_111 = arith.constant 0 : i32
        %dma_start3A_112 = tpu.memref_slice %arg17[%mul3A_101, %dma_start3A_111] : memref<10000x128xf32, #tpu.memory_space<vmem_shared>> -> memref<640x128xf32, #tpu.memory_space<vmem_shared>>
        tpu.enqueue_dma source(%dma_start3A_112 : memref<640x128xf32, #tpu.memory_space<vmem_shared>>) target(%dma_start3A_110 : memref<640x128xf32, #tpu.memory_space<hbm>>) target_semaphore(%run_scoped3A : memref<!tpu.dma_semaphore, #tpu.memory_space<semaphore_mem>>)
        %dma_wait3A_113 = arith.constant 0 : i32
        %dma_wait3A_114 = tpu.memref_slice %arg7[%arg0, %mul3A_103, %dma_wait3A_113] : memref<2x10000x128xf32, #tpu.memory_space<hbm>> -> memref<1x640x128xf32, #tpu.memory_space<hbm>>
        %dma_wait3A_115 = tpu.memref_squeeze %dma_wait3A_114 : memref<1x640x128xf32, #tpu.memory_space<hbm>> -> memref<640x128xf32, #tpu.memory_space<hbm>>
        %dma_wait3A_116 = arith.constant 0 : i32
        %dma_wait3A_117 = tpu.memref_slice %arg17[%mul3A_101, %dma_wait3A_116] : memref<10000x128xf32, #tpu.memory_space<vmem_shared>> -> memref<640x128xf32, #tpu.memory_space<vmem_shared>>
        tpu.wait_dma2 semaphore(%run_scoped3A : memref<!tpu.dma_semaphore, #tpu.memory_space<semaphore_mem>>) src(%dma_wait3A_117 : memref<640x128xf32, #tpu.memory_space<vmem_shared>>) dst(%dma_wait3A_115 : memref<640x128xf32, #tpu.memory_space<hbm>>)
        tpu.yield
      }) : () -> ()
      %mul3A_104 = arith.constant 640 : i32
      %mul3A_105 = arith.muli %arg1, %mul3A_104 : i32
      %mul3A_106 = arith.constant 640 : i32
      %mul3A_107 = arith.muli %arg1, %mul3A_106 : i32
      "tpu.region"() ({
        %run_scoped3A = tpu.sem_alloc : memref<!tpu.dma_semaphore, #tpu.memory_space<semaphore_mem>>
        %dma_start3A_108 = arith.constant 0 : i32
        %dma_start3A_109 = tpu.memref_slice %arg8[%arg0, %mul3A_107, %dma_start3A_108] : memref<2x10000x16xf32, #tpu.memory_space<hbm>> -> memref<1x640x16xf32, #tpu.memory_space<hbm>>
        %dma_start3A_110 = tpu.memref_squeeze %dma_start3A_109 : memref<1x640x16xf32, #tpu.memory_space<hbm>> -> memref<640x16xf32, #tpu.memory_space<hbm>>
        %dma_start3A_111 = arith.constant 0 : i32
        %dma_start3A_112 = tpu.memref_slice %arg18[%mul3A_105, %dma_start3A_111] : memref<10000x16xf32, #tpu.memory_space<vmem_shared>> -> memref<640x16xf32, #tpu.memory_space<vmem_shared>>
        tpu.enqueue_dma source(%dma_start3A_112 : memref<640x16xf32, #tpu.memory_space<vmem_shared>>) target(%dma_start3A_110 : memref<640x16xf32, #tpu.memory_space<hbm>>) target_semaphore(%run_scoped3A : memref<!tpu.dma_semaphore, #tpu.memory_space<semaphore_mem>>)
        %dma_wait3A_113 = arith.constant 0 : i32
        %dma_wait3A_114 = tpu.memref_slice %arg8[%arg0, %mul3A_107, %dma_wait3A_113] : memref<2x10000x16xf32, #tpu.memory_space<hbm>> -> memref<1x640x16xf32, #tpu.memory_space<hbm>>
        %dma_wait3A_115 = tpu.memref_squeeze %dma_wait3A_114 : memref<1x640x16xf32, #tpu.memory_space<hbm>> -> memref<640x16xf32, #tpu.memory_space<hbm>>
        %dma_wait3A_116 = arith.constant 0 : i32
        %dma_wait3A_117 = tpu.memref_slice %arg18[%mul3A_105, %dma_wait3A_116] : memref<10000x16xf32, #tpu.memory_space<vmem_shared>> -> memref<640x16xf32, #tpu.memory_space<vmem_shared>>
        tpu.wait_dma2 semaphore(%run_scoped3A : memref<!tpu.dma_semaphore, #tpu.memory_space<semaphore_mem>>) src(%dma_wait3A_117 : memref<640x16xf32, #tpu.memory_space<vmem_shared>>) dst(%dma_wait3A_115 : memref<640x16xf32, #tpu.memory_space<hbm>>)
        tpu.yield
      }) : () -> ()
    } else {
    }
    %eq3A_95 = arith.constant 15 : i32
    %eq3A_96 = arith.cmpi eq, %arg1, %eq3A_95 : i32
    %convert_element_type3A_97 = arith.extui %eq3A_96 : i1 to i32
    %cond3A_98 = arith.constant 0 : i32
    %cond3A_99 = arith.cmpi ne, %convert_element_type3A_97, %cond3A_98 : i32
    scf.if %cond3A_99 {
      %mul3A_100 = arith.constant 640 : i32
      %mul3A_101 = arith.muli %arg1, %mul3A_100 : i32
      %mul3A_102 = arith.constant 640 : i32
      %mul3A_103 = arith.muli %arg1, %mul3A_102 : i32
      "tpu.region"() ({
        %run_scoped3A = tpu.sem_alloc : memref<!tpu.dma_semaphore, #tpu.memory_space<semaphore_mem>>
        %dma_start3A_108 = arith.constant 0 : i32
        %dma_start3A_109 = tpu.memref_slice %arg7[%arg0, %mul3A_103, %dma_start3A_108] : memref<2x10000x128xf32, #tpu.memory_space<hbm>> -> memref<1x400x128xf32, #tpu.memory_space<hbm>>
        %dma_start3A_110 = tpu.memref_squeeze %dma_start3A_109 : memref<1x400x128xf32, #tpu.memory_space<hbm>> -> memref<400x128xf32, #tpu.memory_space<hbm>>
        %dma_start3A_111 = arith.constant 0 : i32
        %dma_start3A_112 = tpu.memref_slice %arg17[%mul3A_101, %dma_start3A_111] : memref<10000x128xf32, #tpu.memory_space<vmem_shared>> -> memref<400x128xf32, #tpu.memory_space<vmem_shared>>
        tpu.enqueue_dma source(%dma_start3A_112 : memref<400x128xf32, #tpu.memory_space<vmem_shared>>) target(%dma_start3A_110 : memref<400x128xf32, #tpu.memory_space<hbm>>) target_semaphore(%run_scoped3A : memref<!tpu.dma_semaphore, #tpu.memory_space<semaphore_mem>>)
        %dma_wait3A_113 = arith.constant 0 : i32
        %dma_wait3A_114 = tpu.memref_slice %arg7[%arg0, %mul3A_103, %dma_wait3A_113] : memref<2x10000x128xf32, #tpu.memory_space<hbm>> -> memref<1x400x128xf32, #tpu.memory_space<hbm>>
        %dma_wait3A_115 = tpu.memref_squeeze %dma_wait3A_114 : memref<1x400x128xf32, #tpu.memory_space<hbm>> -> memref<400x128xf32, #tpu.memory_space<hbm>>
        %dma_wait3A_116 = arith.constant 0 : i32
        %dma_wait3A_117 = tpu.memref_slice %arg17[%mul3A_101, %dma_wait3A_116] : memref<10000x128xf32, #tpu.memory_space<vmem_shared>> -> memref<400x128xf32, #tpu.memory_space<vmem_shared>>
        tpu.wait_dma2 semaphore(%run_scoped3A : memref<!tpu.dma_semaphore, #tpu.memory_space<semaphore_mem>>) src(%dma_wait3A_117 : memref<400x128xf32, #tpu.memory_space<vmem_shared>>) dst(%dma_wait3A_115 : memref<400x128xf32, #tpu.memory_space<hbm>>)
        tpu.yield
      }) : () -> ()
      %mul3A_104 = arith.constant 640 : i32
      %mul3A_105 = arith.muli %arg1, %mul3A_104 : i32
      %mul3A_106 = arith.constant 640 : i32
      %mul3A_107 = arith.muli %arg1, %mul3A_106 : i32
      "tpu.region"() ({
        %run_scoped3A = tpu.sem_alloc : memref<!tpu.dma_semaphore, #tpu.memory_space<semaphore_mem>>
        %dma_start3A_108 = arith.constant 0 : i32
        %dma_start3A_109 = tpu.memref_slice %arg8[%arg0, %mul3A_107, %dma_start3A_108] : memref<2x10000x16xf32, #tpu.memory_space<hbm>> -> memref<1x400x16xf32, #tpu.memory_space<hbm>>
        %dma_start3A_110 = tpu.memref_squeeze %dma_start3A_109 : memref<1x400x16xf32, #tpu.memory_space<hbm>> -> memref<400x16xf32, #tpu.memory_space<hbm>>
        %dma_start3A_111 = arith.constant 0 : i32
        %dma_start3A_112 = tpu.memref_slice %arg18[%mul3A_105, %dma_start3A_111] : memref<10000x16xf32, #tpu.memory_space<vmem_shared>> -> memref<400x16xf32, #tpu.memory_space<vmem_shared>>
        tpu.enqueue_dma source(%dma_start3A_112 : memref<400x16xf32, #tpu.memory_space<vmem_shared>>) target(%dma_start3A_110 : memref<400x16xf32, #tpu.memory_space<hbm>>) target_semaphore(%run_scoped3A : memref<!tpu.dma_semaphore, #tpu.memory_space<semaphore_mem>>)
        %dma_wait3A_113 = arith.constant 0 : i32
        %dma_wait3A_114 = tpu.memref_slice %arg8[%arg0, %mul3A_107, %dma_wait3A_113] : memref<2x10000x16xf32, #tpu.memory_space<hbm>> -> memref<1x400x16xf32, #tpu.memory_space<hbm>>
        %dma_wait3A_115 = tpu.memref_squeeze %dma_wait3A_114 : memref<1x400x16xf32, #tpu.memory_space<hbm>> -> memref<400x16xf32, #tpu.memory_space<hbm>>
        %dma_wait3A_116 = arith.constant 0 : i32
        %dma_wait3A_117 = tpu.memref_slice %arg18[%mul3A_105, %dma_wait3A_116] : memref<10000x16xf32, #tpu.memory_space<vmem_shared>> -> memref<400x16xf32, #tpu.memory_space<vmem_shared>>
        tpu.wait_dma2 semaphore(%run_scoped3A : memref<!tpu.dma_semaphore, #tpu.memory_space<semaphore_mem>>) src(%dma_wait3A_117 : memref<400x16xf32, #tpu.memory_space<vmem_shared>>) dst(%dma_wait3A_115 : memref<400x16xf32, #tpu.memory_space<hbm>>)
        tpu.yield
      }) : () -> ()
    } else {
    }
    return
  }
}

module attributes {stable_mosaic.version = 14 : i64} {
  func.func @_tc_body(%arg0: i32, %arg1: memref<2000x128xf32, #tpu.memory_space<vmem>>, %arg2: memref<2x2000x128xf32, #tpu.memory_space<vmem>>, %arg3: memref<2x2000x16xf32, #tpu.memory_space<vmem>>, %arg4: memref<1x1x2000xi32, #tpu.memory_space<vmem>>, %arg5: memref<1x1x2000xi32, #tpu.memory_space<vmem>>, %arg6: memref<128x128xf32, #tpu.memory_space<vmem>>, %arg7: memref<128x128xf32, #tpu.memory_space<vmem>>, %arg8: memref<16x128xf32, #tpu.memory_space<vmem>>, %arg9: memref<1x128xf32, #tpu.memory_space<vmem>>, %arg10: memref<256x128xf32, #tpu.memory_space<vmem>>, %arg11: memref<256x128xf32, #tpu.memory_space<vmem>>) attributes {dimension_semantics = [#tpu.dimension_semantics<arbitrary>], iteration_bounds = array<i64: 5>, scalar_prefetch = 0 : i64, scratch_operands = 1 : i64, tpu.core_type = #tpu.core_type<tc>, window_params = [{transform_indices = @transform_0, window_bounds = array<i64: 2000, 128>}, {transform_indices = @transform_1, window_bounds = array<i64: 2, 2000, 128>}, {transform_indices = @transform_2, window_bounds = array<i64: 2, 2000, 16>}, {transform_indices = @transform_3, window_bounds = array<i64: 1, 1, 2000>}, {transform_indices = @transform_4, window_bounds = array<i64: 1, 1, 2000>}, {pipeline_mode = #tpu.pipeline_mode<synchronous>, transform_indices = @transform_5, window_bounds = array<i64: 128, 128>}, {pipeline_mode = #tpu.pipeline_mode<synchronous>, transform_indices = @transform_6, window_bounds = array<i64: 128, 128>}, {pipeline_mode = #tpu.pipeline_mode<synchronous>, transform_indices = @transform_7, window_bounds = array<i64: 16, 128>}, {pipeline_mode = #tpu.pipeline_mode<synchronous>, transform_indices = @transform_8, window_bounds = array<i64: 1, 128>}, {pipeline_mode = #tpu.pipeline_mode<synchronous>, transform_indices = @transform_9, window_bounds = array<i64: 256, 128>}]} {
    %eq3A = arith.constant 0 : i32
    %eq3A_0 = arith.cmpi eq, %arg0, %eq3A : i32
    %convert_element_type3A = arith.extui %eq3A_0 : i1 to i32
    %cond3A = arith.constant 0 : i32
    %cond3A_1 = arith.cmpi ne, %convert_element_type3A, %cond3A : i32
    scf.if %cond3A_1 {
      %broadcast_in_dim3A_78 = arith.constant 0.000000e+00 : f32
      %broadcast_in_dim3A_79 = vector.broadcast %broadcast_in_dim3A_78 : f32 to vector<256x128xf32>
      %swap3A_80 = arith.constant 0 : index
      %swap3A_81 = arith.constant 0 : index
      %swap3A_82 = vector.load %arg11[%swap3A_80, %swap3A_81] : memref<256x128xf32, #tpu.memory_space<vmem>>, vector<256x128xf32>
      tpu.vector_store %arg11[%swap3A_80, %swap3A_81], %broadcast_in_dim3A_79 {strides = array<i32>} : memref<256x128xf32, #tpu.memory_space<vmem>>, vector<256x128xf32>,
    } else {
    }
    %get3A = arith.constant 0 : index
    %get3A_2 = arith.constant 0 : index
    %get3A_3 = arith.constant 0 : index
    %get3A_4 = vector.load %arg2[%get3A, %get3A_2, %get3A_3] : memref<2x2000x128xf32, #tpu.memory_space<vmem>>, vector<1x2000x128xf32>
    %get3A_5 = vector.shape_cast %get3A_4 : vector<1x2000x128xf32> to vector<2000x128xf32>
    %get3A_6 = arith.constant 1 : index
    %get3A_7 = arith.constant 0 : index
    %get3A_8 = arith.constant 0 : index
    %get3A_9 = vector.load %arg2[%get3A_6, %get3A_7, %get3A_8] : memref<2x2000x128xf32, #tpu.memory_space<vmem>>, vector<1x2000x128xf32>
    %get3A_10 = vector.shape_cast %get3A_9 : vector<1x2000x128xf32> to vector<2000x128xf32>
    %add3A = arith.addf %get3A_5, %get3A_10 : vector<2000x128xf32>
    %get3A_11 = arith.constant 0 : index
    %get3A_12 = arith.constant 0 : index
    %get3A_13 = arith.constant 0 : index
    %get3A_14 = vector.load %arg3[%get3A_11, %get3A_12, %get3A_13] : memref<2x2000x16xf32, #tpu.memory_space<vmem>>, vector<1x2000x16xf32>
    %get3A_15 = vector.shape_cast %get3A_14 : vector<1x2000x16xf32> to vector<2000x16xf32>
    %get3A_16 = arith.constant 1 : index
    %get3A_17 = arith.constant 0 : index
    %get3A_18 = arith.constant 0 : index
    %get3A_19 = vector.load %arg3[%get3A_16, %get3A_17, %get3A_18] : memref<2x2000x16xf32, #tpu.memory_space<vmem>>, vector<1x2000x16xf32>
    %get3A_20 = vector.shape_cast %get3A_19 : vector<1x2000x16xf32> to vector<2000x16xf32>
    %add3A_21 = arith.addf %get3A_15, %get3A_20 : vector<2000x16xf32>
    %get3A_22 = arith.constant 0 : index
    %get3A_23 = arith.constant 0 : index
    %get3A_24 = vector.load %arg1[%get3A_22, %get3A_23] : memref<2000x128xf32, #tpu.memory_space<vmem>>, vector<2000x128xf32>
    %get3A_25 = arith.constant 0 : index
    %get3A_26 = arith.constant 0 : index
    %get3A_27 = vector.load %arg6[%get3A_25, %get3A_26] : memref<128x128xf32, #tpu.memory_space<vmem>>, vector<128x128xf32>
    %dot_general3A = arith.constant dense<0.000000e+00> : vector<2000x128xf32>
    %dot_general3A_28 = tpu.matmul %get3A_24, %get3A_27, %dot_general3A {dimension_numbers = #tpu.dot_dimension_numbers<[1], [0], [0], [1], [0, 0, 1, 1], [], []>, transpose_lhs_hint = false} : vector<2000x128xf32>, vector<128x128xf32>, vector<2000x128xf32> -> vector<2000x128xf32>
    %get3A_29 = arith.constant 0 : index
    %get3A_30 = arith.constant 0 : index
    %get3A_31 = vector.load %arg7[%get3A_29, %get3A_30] : memref<128x128xf32, #tpu.memory_space<vmem>>, vector<128x128xf32>
    %dot_general3A_32 = arith.constant dense<0.000000e+00> : vector<2000x128xf32>
    %dot_general3A_33 = tpu.matmul %add3A, %get3A_31, %dot_general3A_32 {dimension_numbers = #tpu.dot_dimension_numbers<[1], [0], [0], [1], [0, 0, 1, 1], [], []>, transpose_lhs_hint = false} : vector<2000x128xf32>, vector<128x128xf32>, vector<2000x128xf32> -> vector<2000x128xf32>
    %add3A_34 = arith.addf %dot_general3A_28, %dot_general3A_33 : vector<2000x128xf32>
    %get3A_35 = arith.constant 0 : index
    %get3A_36 = arith.constant 0 : index
    %get3A_37 = vector.load %arg8[%get3A_35, %get3A_36] : memref<16x128xf32, #tpu.memory_space<vmem>>, vector<16x128xf32>
    %dot_general3A_38 = arith.constant dense<0.000000e+00> : vector<2000x128xf32>
    %dot_general3A_39 = tpu.matmul %add3A_21, %get3A_37, %dot_general3A_38 {dimension_numbers = #tpu.dot_dimension_numbers<[1], [0], [0], [1], [0, 0, 1, 1], [], []>, transpose_lhs_hint = false} : vector<2000x16xf32>, vector<16x128xf32>, vector<2000x128xf32> -> vector<2000x128xf32>
    %add3A_40 = arith.addf %add3A_34, %dot_general3A_39 : vector<2000x128xf32>
    %get3A_41 = arith.constant 0 : index
    %get3A_42 = arith.constant 0 : index
    %get3A_43 = vector.load %arg9[%get3A_41, %get3A_42] : memref<1x128xf32, #tpu.memory_space<vmem>>, vector<1x128xf32>
    %add3A_44 = vector.broadcast %get3A_43 : vector<1x128xf32> to vector<2000x128xf32>
    %add3A_45 = arith.addf %add3A_40, %add3A_44 : vector<2000x128xf32>
    %max3A = arith.constant 0.000000e+00 : f32
    %max3A_46 = vector.broadcast %max3A : f32 to vector<2000x128xf32>
    %max3A_47 = arith.maximumf %add3A_45, %max3A_46 : vector<2000x128xf32>
    %get3A_48 = arith.constant 0 : index
    %get3A_49 = arith.constant 0 : index
    %get3A_50 = arith.constant 0 : index
    %get3A_51 = vector.load %arg4[%get3A_48, %get3A_49, %get3A_50] : memref<1x1x2000xi32, #tpu.memory_space<vmem>>, vector<1x1x2000xi32>
    %get3A_52 = vector.shape_cast %get3A_51 : vector<1x1x2000xi32> to vector<2000xi32>
    %mul3A = arith.constant 2 : i32
    %mul3A_53 = vector.broadcast %mul3A : i32 to vector<2000xi32>
    %mul3A_54 = arith.muli %get3A_52, %mul3A_53 : vector<2000xi32>
    %get3A_55 = arith.constant 0 : index
    %get3A_56 = arith.constant 0 : index
    %get3A_57 = arith.constant 0 : index
    %get3A_58 = vector.load %arg5[%get3A_55, %get3A_56, %get3A_57] : memref<1x1x2000xi32, #tpu.memory_space<vmem>>, vector<1x1x2000xi32>
    %get3A_59 = vector.shape_cast %get3A_58 : vector<1x1x2000xi32> to vector<2000xi32>
    %add3A_60 = arith.addi %mul3A_54, %get3A_59 : vector<2000xi32>
    %broadcast_in_dim3A = vector.shape_cast %add3A_60 : vector<2000xi32> to vector<2000x1xi32>
    %iota3A = tpu.iota {dimensions = array<i32: 1>} : vector<2000x256xi32>
    %eq3A_61 = vector.broadcast %broadcast_in_dim3A : vector<2000x1xi32> to vector<2000x256xi32>
    %eq3A_62 = arith.cmpi eq, %eq3A_61, %iota3A : vector<2000x256xi32>
    %get3A_63 = arith.constant 0 : index
    %get3A_64 = arith.constant 0 : index
    %get3A_65 = vector.load %arg11[%get3A_63, %get3A_64] : memref<256x128xf32, #tpu.memory_space<vmem>>, vector<256x128xf32>
    %convert_element_type3A_66 = arith.extui %eq3A_62 : vector<2000x256xi1> to vector<2000x256xi32>
    %convert_element_type3A_67 = arith.sitofp %convert_element_type3A_66 : vector<2000x256xi32> to vector<2000x256xf32>
    %dot_general3A_68 = arith.constant dense<0.000000e+00> : vector<256x128xf32>
    %dot_general3A_69 = tpu.matmul %convert_element_type3A_67, %max3A_47, %dot_general3A_68 {dimension_numbers = #tpu.dot_dimension_numbers<[0], [0], [1], [1], [0, 1, 1, 1], [], []>, transpose_lhs_hint = false} : vector<2000x256xf32>, vector<2000x128xf32>, vector<256x128xf32> -> vector<256x128xf32>
    %add3A_70 = arith.addf %get3A_65, %dot_general3A_69 : vector<256x128xf32>
    %swap3A = arith.constant 0 : index
    %swap3A_71 = arith.constant 0 : index
    %swap3A_72 = vector.load %arg11[%swap3A, %swap3A_71] : memref<256x128xf32, #tpu.memory_space<vmem>>, vector<256x128xf32>
    tpu.vector_store %arg11[%swap3A, %swap3A_71], %add3A_70 {strides = array<i32>} : memref<256x128xf32, #tpu.memory_space<vmem>>, vector<256x128xf32>,
    %eq3A_73 = arith.constant 4 : i32
    %eq3A_74 = arith.cmpi eq, %arg0, %eq3A_73 : i32
    %convert_element_type3A_75 = arith.extui %eq3A_74 : i1 to i32
    %cond3A_76 = arith.constant 0 : i32
    %cond3A_77 = arith.cmpi ne, %convert_element_type3A_75, %cond3A_76 : i32
    scf.if %cond3A_77 {
      %get3A_78 = arith.constant 0 : index
      %get3A_79 = arith.constant 0 : index
      %get3A_80 = vector.load %arg11[%get3A_78, %get3A_79] : memref<256x128xf32, #tpu.memory_space<vmem>>, vector<256x128xf32>
      %swap3A_81 = arith.constant 0 : index
      %swap3A_82 = arith.constant 0 : index
      %swap3A_83 = vector.load %arg10[%swap3A_81, %swap3A_82] : memref<256x128xf32, #tpu.memory_space<vmem>>, vector<256x128xf32>
      tpu.vector_store %arg10[%swap3A_81, %swap3A_82], %get3A_80 {strides = array<i32>} : memref<256x128xf32, #tpu.memory_space<vmem>>, vector<256x128xf32>,
    } else {
    }
    return
  }
  func.func @transform_0(%arg0: i32) -> (i32, i32) {
    %c0_i32 = arith.constant 0 : i32
    %c0_i32_0 = arith.constant 0 : i32
    return %arg0, %c0_i32 : i32, i32
  }
  func.func @transform_1(%arg0: i32) -> (i32, i32, i32) {
    %c0_i32 = arith.constant 0 : i32
    %c0_i32_0 = arith.constant 0 : i32
    %c0_i32_1 = arith.constant 0 : i32
    return %c0_i32, %arg0, %c0_i32_0 : i32, i32, i32
  }
  func.func @transform_2(%arg0: i32) -> (i32, i32, i32) {
    %c0_i32 = arith.constant 0 : i32
    %c0_i32_0 = arith.constant 0 : i32
    %c0_i32_1 = arith.constant 0 : i32
    return %c0_i32, %arg0, %c0_i32_0 : i32, i32, i32
  }
  func.func @transform_3(%arg0: i32) -> (i32, i32, i32) {
    %c0_i32 = arith.constant 0 : i32
    %c0_i32_0 = arith.constant 0 : i32
    %c0_i32_1 = arith.constant 0 : i32
    return %arg0, %c0_i32, %c0_i32_0 : i32, i32, i32
  }
  func.func @transform_4(%arg0: i32) -> (i32, i32, i32) {
    %c0_i32 = arith.constant 0 : i32
    %c0_i32_0 = arith.constant 0 : i32
    %c0_i32_1 = arith.constant 0 : i32
    return %arg0, %c0_i32, %c0_i32_0 : i32, i32, i32
  }
  func.func @transform_5(%arg0: i32) -> (i32, i32) {
    %c0_i32 = arith.constant 0 : i32
    %c0_i32_0 = arith.constant 0 : i32
    %c0_i32_1 = arith.constant 0 : i32
    return %c0_i32, %c0_i32_0 : i32, i32
  }
  func.func @transform_6(%arg0: i32) -> (i32, i32) {
    %c0_i32 = arith.constant 0 : i32
    %c0_i32_0 = arith.constant 0 : i32
    %c0_i32_1 = arith.constant 0 : i32
    return %c0_i32, %c0_i32_0 : i32, i32
  }
  func.func @transform_7(%arg0: i32) -> (i32, i32) {
    %c0_i32 = arith.constant 0 : i32
    %c0_i32_0 = arith.constant 0 : i32
    %c0_i32_1 = arith.constant 0 : i32
    return %c0_i32, %c0_i32_0 : i32, i32
  }
  func.func @transform_8(%arg0: i32) -> (i32, i32) {
    %c0_i32 = arith.constant 0 : i32
    %c0_i32_0 = arith.constant 0 : i32
    %c0_i32_1 = arith.constant 0 : i32
    return %c0_i32, %c0_i32_0 : i32, i32
  }
  func.func @transform_9(%arg0: i32) -> (i32, i32) {
    %c0_i32 = arith.constant 0 : i32
    %c0_i32_0 = arith.constant 0 : i32
    %c0_i32_1 = arith.constant 0 : i32
    return %c0_i32, %c0_i32_0 : i32, i32
  }
}

</mosaic_0001>

<sc_bundles>
// kernel: kernel.4.cloned.1.call-start
scs
__scs_entry_jumppad:
0x0: {  	(pc) =	sbr.rel $0x88, $3  }
0x1: {  	(tag) =	ssettag $0x0;
	lr =	simm.s32 $0x1  }
0x2: {  	[smem:$0x3F97] =	sst lr;
	_ =	strace $0xD0000000  }
0x3: {  	_ = 	snop  }
0x4: {  	_ = 	snop  }
0x5: {  	_ = 	snop  }
0x6: {  	_ = 	snop  }
0x7: {  	_ = 	snop  }
__scs_overlays_trampoline_lowered:
0x8: {  	[smem:$0x3FA6] =	sst s0  }
0x9: {  	[smem:$0x3FA7] =	sst s1  }
0xa: {  	[smem:$0x3FA8] =	sst s2  }
0xb: {  	[smem:$0x3FA9] =	sst s3  }
0xc: {  	[smem:$0x3FAA] =	sst s4  }
0xd: {  	[smem:$0x3FAB] =	sst s5  }
0xe: {  	[smem:$0x3FAC] =	sst s6  }
0xf: {  	[smem:$0x3FAD] =	sst s7  }
0x10: {  	[smem:$0x3FAE] =	sst s8  }
0x11: {  	[smem:$0x3FAF] =	sst s9;
	s0 =	simm.s32 @!p0 $0x0  }
0x12: {  	s1 =	sld [smem:$0x3F95];
	s0 =	simm.s32 @p0 $0x1  }
0x13: {  	[smem:$0x3FB0] =	sst s0;
	s0 =	simm.s32 @!p1 $0x0  }
0x14: {  	s2 =	sld [smem:$0x3F94];
	s0 =	simm.s32 @p1 $0x1  }
0x15: {  	[smem:$0x3FB1] =	sst s0;
	s0 =	simm.s32 @!p2 $0x0  }
0x16: {  	s3 =	sld [smem:$0x3FDB];
	s0 =	simm.s32 @p2 $0x1  }
0x17: {  	s4 =	simm.s32 $0x1BF5;
	[smem:$0x3FB3] =	sst s0  }
0x18: {  	s0 =	sld [smem:$0x3F96];
	_ =	swait.ge [sflag:s4], $0x0  }
0x19: {  	s7 =	sld [smem:$0x3F97]  }
0x1a: {  	s8 =	sadd.s32 $0xFFFFE003, lr  }
0x1b: {  	s9 =	sadd.s32 $0xFFFFFEF7, lr;
	s5 =	simm.s32 $0xFFFFFFFF;
	p2 =	slt.u32 s8, $0xFFFFF086  }
0x1c: {  	p1 =	slt.u32 s9, $0xF7A;
	s5 =	simm.s32 @!p2 $0x0  }
0x1d: {  	s5 =	simm.s32 @p1 $0x1;
	p0 =	seq.s32 s7, s2  }
0x1e: {  	s7 =	smul.u32 @!p0 $0xF7A, s2;
	p2 =	seq.s32 @!p0 s5, $0x0  }
0x1f: {  	s9 =	smul.u32 $0xF7A, s1;
	s8 =	simm.s32 @!p0 $0x1BF5;
	p2 =	por !p2, p0  }
0x20: {  	[sflag:s8] =	ssyncset.s32 @!p0 $0xFFFFF086;
	s6 =	sadd.s32 @!p0 s3, s7;
	s7 =	simm.s32 @!p0 $0x108  }
0x21: {  	s3 =	sadd.s32 s3, s9;
	s6 =	sadd.s32 @!p0 $0x88, s6;
	s7 =	simm.s32 @p2 $0x1082  }
0x22: {  	[simem:s7], [sflag:s8] =	dma.local @!p0 [hbm:s6], $0xF7A  }
0x23: {  	s9 =	sor.u32 $0xD0000000, s2;
	s6 =	simm.s32 $0x108;
	_ =	swait.ge @!p0 [sflag:s8], $0x0  }
0x24: {  	s3 =	sadd.s32 $0x88, s3;
	s6 =	simm.s32 @!p1 $0x1082;
	[sflag:s4] =	ssyncset.s32 $0xFFFFF086  }
0x25: {  	[simem:s6], [sflag:s4] =	dma.local [hbm:s3], $0xF7A  }
0x26: {  	[smem:$0x3F97] =	sst s1;
	(tag) =	ssettag s2;
	_ =	strace s9  }
0x27: {  	s1 =	sld [smem:$0x3FA7]  }
0x28: {  	s2 =	sld [smem:$0x3FA8]  }
0x29: {  	s4 =	sld [smem:$0x3FAA]  }
0x2a: {  	p0 =	seq.s32 s5, $0x0;
	s5 =	sld [smem:$0x3FAB]  }
0x2b: {  	s6 =	sld [smem:$0x3FAC]  }
0x2c: {  	s7 =	sld [smem:$0x3FAD]  }
0x2d: {  	s3 =	simm.s32 $0x108;
	s8 =	sld [smem:$0x3FAE]  }
0x2e: {  	s3 =	simm.s32 @!p0 $0x1082;
	s9 =	sld [smem:$0x3FAF]  }
0x2f: {  	lr =	sadd.s32 s0, s3;
	s0 =	sld [smem:$0x3FA6]  }
0x30: {  	s3 =	sld [smem:$0x3FA9]  }
0x31: {  	[smem:$0x3FB2] =	sst s10  }
0x32: {  	s10 =	sld [smem:$0x3FB0];
	_ =	sdelay $0x3  }
0x33: {  	p0 =	seq.s32 s10, $0x1;
	s10 =	sld [smem:$0x3FB2];
	_ =	sdelay $0x3  }
0x34: {  	[smem:$0x3FB2] =	sst s10  }
0x35: {  	s10 =	sld [smem:$0x3FB1];
	_ =	sdelay $0x3  }
0x36: {  	p1 =	seq.s32 s10, $0x1;
	s10 =	sld [smem:$0x3FB2];
	_ =	sdelay $0x3  }
0x37: {  	[smem:$0x3FB2] =	sst s10  }
0x38: {  	s10 =	sld [smem:$0x3FB3]  }
0x39: {  	_ = 	snop;
	(pc) =	sbr.ind lr, $3  }
0x3a: {  	_ = 	snop  }
0x3b: {  	_ = 	snop  }
0x3c: {  	p2 =	seq.s32 s10, $0x1;
	s10 =	sld [smem:$0x3FB2]  }
0x3d: {  	_ =	shalt  }
0x3e: {  	_ =	shalt  }
0x3f: {  	_ =	shalt  }
0x40: {  	_ =	shalt  }
0x41: {  	_ =	shalt  }
0x42: {  	_ =	shalt  }
0x43: {  	_ =	shalt  }
0x44: {  	_ =	shalt  }
0x45: {  	_ =	shalt  }
0x46: {  	_ =	shalt  }
0x47: {  	_ =	shalt  }
0x48: {  	_ =	shalt  }
0x49: {  	_ =	shalt  }
0x4a: {  	_ =	shalt  }
0x4b: {  	_ =	shalt  }
0x4c: {  	_ =	shalt  }
0x4d: {  	_ =	shalt  }
0x4e: {  	_ =	shalt  }
0x4f: {  	_ =	shalt  }
0x50: {  	_ =	shalt  }
0x51: {  	_ =	shalt  }
0x52: {  	_ =	shalt  }
0x53: {  	_ =	shalt  }
0x54: {  	_ =	shalt  }
0x55: {  	_ =	shalt  }
0x56: {  	_ =	shalt  }
0x57: {  	_ =	shalt  }
0x58: {  	_ =	shalt  }
0x59: {  	_ =	shalt  }
0x5a: {  	_ =	shalt  }
0x5b: {  	_ =	shalt  }
0x5c: {  	_ =	shalt  }
0x5d: {  	_ =	shalt  }
0x5e: {  	_ =	shalt  }
0x5f: {  	_ =	shalt  }
0x60: {  	_ =	shalt  }
0x61: {  	_ =	shalt  }
0x62: {  	_ =	shalt  }
0x63: {  	_ =	shalt  }
0x64: {  	_ =	shalt  }
0x65: {  	_ =	shalt  }
0x66: {  	_ =	shalt  }
0x67: {  	_ =	shalt  }
0x68: {  	_ =	shalt  }
0x69: {  	_ =	shalt  }
0x6a: {  	_ =	shalt  }
0x6b: {  	_ =	shalt  }
0x6c: {  	_ =	shalt  }
0x6d: {  	_ =	shalt  }
0x6e: {  	_ =	shalt  }
0x6f: {  	_ =	shalt  }
0x70: {  	_ =	shalt  }
0x71: {  	_ =	shalt  }
0x72: {  	_ =	shalt  }
0x73: {  	_ =	shalt  }
0x74: {  	_ =	shalt  }
0x75: {  	_ =	shalt  }
0x76: {  	_ =	shalt  }
0x77: {  	_ =	shalt  }
0x78: {  	_ =	shalt  }
0x79: {  	_ =	shalt  }
0x7a: {  	_ =	shalt  }
0x7b: {  	_ =	shalt  }
0x7c: {  	_ =	shalt  }
0x7d: {  	_ =	shalt  }
0x7e: {  	_ =	shalt  }
0x7f: {  	_ =	shalt  }
0x80: {  	_ =	shalt  }
0x81: {  	_ =	shalt  }
0x82: {  	_ =	shalt  }
0x83: {  	_ =	shalt  }
0x84: {  	_ =	shalt  }
0x85: {  	_ =	shalt  }
0x86: {  	_ =	shalt  }
0x87: {  	_ =	shalt  }
.Lfunc_end0:
.L_simem_size_0:
called_computation_lowered:
.L_overlay_start_0:
0x88: {  	s2 =	sld [smem:$0x3FD9]  }
0x89: {  	s3 =	sld [smem:$0x3FFE];
	_ =	sdelay $0x1  }
0x8a: {  	s1 =	srdreg.scid  }
0x8b: {  	s0 =	sand.u32 $0x1, s1  }
0x8c: {  	s14 =	sshll.u32 s0, $0xA;
	s2 =	sadd.s32 s3, s2  }
0x8d: {  	s2 =	sadd.s32 s2, s14  }
0x8e: {  	[smem:$0x3FBE] =	sst s2  }
0x8f: {  	_ = 	snop  }
0x90: {  	s2 =	sld [smem:$0x3FD0];
	_ =	sdelay $0x2  }
0x91: {  	s4 =	simm.s32 $0xA;
	s5 =	simm.s32 $0x10;
	s15 =	sld [smem:$0x3FC9]  }
0x92: {  	[smem:s5], [sflag:s4] =	dma.local [hbm:s2], $0x1  }
0x93: {  	_ =	swait.eq [sflag:s4], $0x1  }
0x94: {  	[sflag:s4] =	ssyncset.done $0x0  }
0x95: {  	[sflag:s4] =	ssyncadd.s32 $0xFFFFFFFF  }
0x96: {  	s16 =	sld [smem:$0x10];
	(tm) =	ssettm $0x1  }
0x97: {  	s17 =	sld [smem:$0x3FFB];
	_ =	sdelay $0x3  }
0x98: {  	_ =	strace s17  }
0x99: {  	s4 =	sld [smem:$0x3FFC];
	_ =	sdelay $0x3  }
0x9a: {  	_ =	strace s4  }
0x9b: {  	s4 =	sld [smem:$0x3FFD];
	_ =	sdelay $0x3  }
0x9c: {  	_ =	strace s4  }
0x9d: {  	_ =	strace $0x8FFFFFFF  }
0x9e: {  	s18 =	sld [smem:$0x3FDB];
	_ =	sdelay $0x1  }
0x9f: {  	s19 =	simm.s32 $_scs_section_size  }
0xa0: {  	s6 =	simm.s32 $_size__tile_overlayer_lowered;
	s7 =	simm.s32 $_tile_overlayer_lowered  }
0xa1: {  	s22 =	simm.s32 $0x1BFF;
	s21 =	sshll.u32 s7, $0x1;
	s4 =	sadd.s32 s19, s18  }
0xa2: {  	s8 =	simm.s32 $0x0;
	s20 =	sshll.u32 s6, $0x1;
	s6 =	sadd.s32 s21, s4  }
0xa3: {  	[timem:s8], [sflag:s22] =	dma.local [hbm:s6], s20  }
0xa4: {  	_ =	swait.ge [sflag:s22], s20  }
0xa5: {  	s5 =	ssub.s32 $0x0, s20;
	[sflag:s22] =	ssyncset.done $0x0  }
0xa6: {  	[sflag:s22] =	ssyncadd.s32 s5;
	_ =	sdelay $0x1  }
0xa7: {  	s23 =	simm.s32 $0x1B8B  }
0xa8: {  	_ =	swait.ge [sflag:s23], $0x1  }
0xa9: {  	[sflag:s23] =	ssyncset.done $0x0  }
0xaa: {  	s25 =	simm.s32 $0x1B8E;
	s24 =	sld [smem:$0x3FFE];
	[sflag:s23] =	ssyncadd.s32 $0xFFFFFFFF  }
0xab: {  	s26 =	simm.s32 $execute0_lowered;
	[smem:$0x3FD2] =	sst s25  }
0xac: {  	s6 =	sshll.u32 s26, $0x1;
	_ =	strace $0x80000046;
	[dreg:$0x1] =	wrdreg $0xFFFFFFFF  }
0xad: {  	s28 =	simm.s32 $_size_execute0_lowered;
	s4 =	sadd.s32 s4, s6;
	[dreg:$0x0] =	wrdreg $0x0  }
0xae: {  	s6 =	sshll.u32 s28, $0x1;
	[dreg:$0x2] =	wrdreg s4  }
0xaf: {  	[dreg:$0x3] =	wrdreg s6  }
0xb0: {  	[dreg:$0x4] =	wrdreg $0xC0  }
0xb1: {  	_ =	task [dreg:s8], $0x5FFFF  }
0xb2: {  	[dreg:$0x1] =	wrdreg $0xFFFFFFFF  }
0xb3: {  	[dreg:$0x0] =	wrdreg $0x60  }
0xb4: {  	[dreg:$0x2] =	wrdreg s24  }
0xb5: {  	[dreg:$0x3] =	wrdreg s15  }
0xb6: {  	[dreg:$0x4] =	wrdreg s16  }
0xb7: {  	[dreg:$0x5] =	wrdreg $0x65400  }
0xb8: {  	[dreg:$0x6] =	wrdreg $0x19DC00  }
0xb9: {  	[dreg:$0x7] =	wrdreg $0x9  }
0xba: {  	_ =	task.clear_ibuf [dreg:s8], $0x8FFFF;
	_ =	strace $0x90000046  }
0xbb: {  	s29 =	simm.s32 $0x9;
	_ =	strace $0x80000048  }
0xbc: {  	_ =	swait.ge [sflag:s29], $0x1  }
0xbd: {  	[sflag:s29] =	ssyncadd.s32 $0xFFFFFFFF  }
0xbe: {  	_ =	strace $0x90000048  }
0xbf: {  	_ =	sfence  }
0xc0: {  	s30 =	sld [smem:$0x0];
	_ =	sdelay $0x2  }
0xc1: {  	s31 =	sshll.u32 s1, $0xD;
	s1 =	sshrl.u32 s1, $0x2  }
0xc2: {  	s3 =	sand.u32 $0x4000, s31;
	s1 =	sadd.s32 s1, s30  }
0xc3: {  	s0 =	sor.u32 s3, s0;
	s1 =	sshll.u32 s1, $0x11  }
0xc4: {  	s0 =	sor.u32 s1, s0  }
0xc5: {  	s0 =	sadd.s32 $0x8F2B, s0  }
0xc6: {  	[sflag:s0] =	ssyncadd.remote.s32 $0x1  }
0xc7: {  	_ =	sfence.sel $0xFFFF  }
0xc8: {  	[dreg:$0x0] =	wrdreg $0xFFFFFFFF;
	(pc) =	sbr.abs _section_cstart, $3  }
0xc9: {  	[dreg:$0x1] =	wrdreg $0xFFFFFFFF  }
0xca: {  	_ =	task.clear_ibuf [dreg:s8], $0x2FFFF;
	_ =	strace $0x9FFFFFFF  }
0xcb: {  	(tm) =	ssettm $0x7FFFFFFF  }
tec
execute0_lowered:
.L_overlay_start_1:
0x0: {  	(tag) =	ssettag $0x1  }
0x1: {  	s0 =	rddreg [dreg:$0x0]  }
0x2: {  	s1 =	rddreg [dreg:$0x1]  }
0x3: {  	s3 =	rddreg [dreg:$0x3]  }
0x4: {  	s4 =	rddreg [dreg:$0x4];
	s5 =	simm.s32 $0x0;
	s8 =	srdreg.scid  }
0x5: {  	s20 =	stileid.u32;
	s28 =	simm.s32 $0x50;
	s29 =	simm.s32 $0x4E200  }
0x6: {  	s30 =	simm.s32 $0x9;
	s31 =	simm.s32 $0x140;
	[smem:$0x7FF] =	sst s5  }
0x7: {  	s6 =	sadd.s32 $0x9E600, s0;
	s7 =	sadd.s32 $0x2200, s0;
	s11 =	smul.u32 $0x50000, s20  }
0x8: {  	s2 =	sadd.s32 $0xB2000, s0;
	s26 =	sadd.s32 $0xBE600, s0;
	s13 =	smul.u32 $0xA000, s20  }
0x9: {  	s0 =	sadd.s32 $0xB4800, s0;
	s8 =	sand.u32 $0x1, s8;
	s15 =	smul.u32 $0x14000, s20  }
0xa: {  	p0 =	seq.s32 s20, $0xF;
	_ =	strace $0x80000047;
	[dreg:$0x6] =	wrdreg s2  }
0xb: {  	s9 =	ssub.s32 $0x2, s8;
	s10 =	sshll.u32 s8, $0x4;
	s17 =	smul.u32 $0x138800, s8  }
0xc: {  	s8 =	smul.u32 $0x27100, s8;
	s12 =	sshrl.u32 s9, $0x1;
	s10 =	sor.u32 s20, s10  }
0xd: {  	s11 =	sshrl.u32 s11, $0x2;
	s16 =	sshrl.u32 s13, $0x2;
	s9 =	ssub.s32 s9, s12  }
0xe: {  	s10 =	smul.u32 $0x2710, s10;
	s11 =	sadd.s32 s11, s3;
	s12 =	sadd.s32 s16, s4  }
0xf: {  	s16 =	sadd.s32 $0x12C000, s3;
	s21 =	sadd.s32 s15, s17;
	s13 =	sshrl.u32 s17, $0x3  }
0x10: {  	[dreg:$0x7] =	wrdreg s16;
	s16 =	sshrl.u32 s21, $0x3;
	s25 =	smax.u32 s9, $0x1  }
0x11: {  	s2 =	sadd.s32 s26, s13;
	s16 =	sadd.s32 s26, s16;
	[dreg:$0x10] =	wrdreg s25  }
0x12: {  	s21 =	simm.s32 $0x7;
	s2 =	sadd.s32 $0x25800, s2;
	[dreg:$0xa] =	wrdreg s16  }
0x13: {  	s14 =	sshrl.u32 s10, $0x3;
	s26 =	sadd.s32 $0x25800, s4;
	[dreg:$0xe] =	wrdreg s2  }
0x14: {  	s17 =	sadd.s32 $0xA0, s10;
	s18 =	sadd.s32 s6, s14;
	[dreg:$0x15] =	wrdreg s26  }
0x15: {  	s19 =	sadd.s32 s7, s14;
	s14 =	sadd.s32 $0xA, s14;
	[dreg:$0x8] =	wrdreg s18  }
0x16: {  	s2 =	simm.s32 $0x2940;
	s16 =	simm.s32 $0x4;
	[dreg:$0x9] =	wrdreg s19  }
0x17: {  	s19 =	smul.u32 $0x2800, s20;
	s23 =	sadd.s32 s6, s14;
	s14 =	sadd.s32 s7, s14  }
0x18: {  	s18 =	sadd.s32 $0xF0, s10;
	s20 =	simm.s32 $0x5;
	[dreg:$0xb] =	wrdreg s23  }
0x19: {  	[dreg:$0xc] =	wrdreg s14;
	s14 =	simm.s32 $0x2;
	s22 =	sadd.s32 s19, s8  }
0x1a: {  	s23 =	simm.s32 $0x8;
	s8 =	sshrl.u32 s8, $0x3;
	s24 =	sshrl.u32 s22, $0x3  }
0x1b: {  	s10 =	sadd.s32 s19, s4;
	s22 =	simm.s32 $0x6;
	s13 =	sadd.s32 s0, s24  }
0x1c: {  	s0 =	sadd.s32 s0, s8;
	s8 =	sadd.s32 s15, s3;
	s15 =	simm.s32 $0xF0  }
0x1d: {  	v0 =	vlaneseq.u32;
	s24 =	simm.s32 $0x0;
	[dreg:$0xd] =	wrdreg s13;
	s0 =	sadd.s32 $0x4B00, s0  }
0x1e: {  	v0 =	vmul.u32 $0x50, v0;
	s13 =	simm.s32 $0x5B40;
	[dreg:$0xf] =	wrdreg s0;
	s0 =	sshrl.u32 @!p0 s11, $0x3  }
0x1f: {  	v1 =	vimm.s32 $0x0;
	vm0 =	vcmask $0x300;
	s11 =	simm.s32 $0x1;
	[dreg:$0x11] =	wrdreg s0;
	s0 =	sshrl.u32 @!p0 s12, $0x3  }
0x20: {  	v1 =	vsel vm0, $0x3, v1;
	v2 =	vor.u32 $0x1, v0;
	s12 =	simm.s32 $0x3;
	[dreg:$0x12] =	wrdreg s0;
	s0 =	sshrl.u32 @!p0 s8, $0x3  }
0x21: {  	v3 =	vor.u32 $0x2, v0;
	v4 =	vor.u32 $0x3, v0;
	v5 =	vor.u32 $0x4, v0;
	s8 =	simm.s32 $0xA0;
	[dreg:$0x13] =	wrdreg s0;
	s0 =	sshrl.u32 @!p0 s10, $0x3  }
0x22: {  	v6 =	vor.u32 $0x5, v0;
	v7 =	vor.u32 $0x6, v0;
	v8 =	vor.u32 $0x7, v0;
	s10 =	simm.s32 $0x5640;
	[dreg:$0x14] =	wrdreg s0;
	s0 =	simm.s32 $0x5140  }
.LBB2_1:
0x23: {  	[dreg:$0x16] =	wrdreg s24  }
0x24: {  	s9 =	rddreg [dreg:$0x7]  }
0x25: {  	s25 =	rddreg [dreg:$0x6];
	s19 =	sshrl.u32 @p0 s9, $0x3  }
0x26: {  	s9 =	simm.s32 @p0 $0x1FC9;
	[dreg:$0x18] =	wrdreg s19  }
0x27: {  	[spmem:s19], [sflag:s9] =	dma.local @p0 [hbm:s25], $0x1900  }
0x28: {  	s19 =	simm.s32 @p0 $0x9  }
0x29: {  	_ =	swait.ge @p0 [sflag:s19], $0x1900  }
0x2a: {  	[sflag:s19] =	ssyncset.done @p0 $0x0  }
0x2b: {  	s24 =	rddreg [dreg:$0x15];
	[sflag:s19] =	ssyncadd.s32 @p0 $0xFFFFE700  }
0x2c: {  	s26 =	sshrl.u32 @p0 s24, $0x3;
	s24 =	rddreg [dreg:$0x2]  }
0x2d: {  	[dreg:$0x19] =	wrdreg s26  }
0x2e: {  	[spmem:s26], [sflag:s9] =	dma.local @p0 [hbm:s24], $0x320  }
0x2f: {  	s9 =	stileid.u32;
	_ =	swait.ge @p0 [sflag:s19], $0x320  }
0x30: {  	s9 =	sshll.u32 @!p0 s9, $0x6;
	[sflag:s19] =	ssyncset.done @p0 $0x0  }
0x31: {  	s26 =	sor.u32 @!p0 $0x1C09, s9;
	s9 =	rddreg [dreg:$0x11];
	[sflag:s19] =	ssyncadd.s32 @p0 $0xFFFFFCE0  }
0x32: {  	[spmem:s9], [sflag:s26] =	dma.local @!p0 [hbm:s25], $0x2800  }
0x33: {  	s9 =	simm.s32 @!p0 $0x9  }
0x34: {  	_ =	swait.ge @!p0 [sflag:s9], $0x2800  }
0x35: {  	[dreg:$0x17] =	wrdreg s26;
	[sflag:s9] =	ssyncset.done @!p0 $0x0  }
0x36: {  	s19 =	rddreg [dreg:$0x12];
	[sflag:s9] =	ssyncadd.s32 @!p0 $0xFFFFD800  }
0x37: {  	[spmem:s19], [sflag:s26] =	dma.local @!p0 [hbm:s24], $0x500  }
0x38: {  	_ =	swait.ge @!p0 [sflag:s9], $0x500  }
0x39: {  	[sflag:s9] =	ssyncset.done @!p0 $0x0  }
0x3a: {  	[sflag:s9] =	ssyncadd.s32 @!p0 $0xFFFFFB00  }
0x3b: {  	[bflag:$0x0] =	sbarrier.arrive $0xFFFF  }
0x3c: {  	s19 =	rddreg [dreg:$0x8]  }
0x3d: {  	[tilespmem:s5], [sflag:$0x9] =	stream.strided.gather [hbm4b:s19+s28], $0xA0, s29, s28, $0x38;
	[tilespmem:$0x1C4D0] =	vst v63  }
0x3e: {  	_ =	swait.ge [sflag:s30], $0xA0  }
0x3f: {  	[sflag:s30] =	ssyncset.done $0x0  }
0x40: {  	[sflag:s30] =	ssyncadd.s32 $0xFFFFFF60  }
0x41: {  	[tilespmem:s31], [sflag:$0x1] =	stream.indirect.gather [hbm4b:s1+s28], $0x80, s5, s28, $0xb8;
	[tilespmem:$0x1C4D0] =	vst v63  }
0x42: {  	s24 =	rddreg [dreg:$0x9]  }
0x43: {  	[tilespmem:s0], [sflag:$0x3] =	stream.strided.gather [hbm4b:s24+s28], $0x500, s29, s28, $0x38;
	[tilespmem:$0x1C4D0] =	vst v63  }
0x44: {  	s25 =	rddreg [dreg:$0xb]  }
0x45: {  	[tilespmem:s8], [sflag:$0x9] =	stream.strided.gather [hbm4b:s25+s28], $0xA0, s29, s28, $0x38;
	[tilespmem:$0x1C4D0] =	vst v63  }
0x46: {  	_ =	swait.ge [sflag:s30], $0xA0  }
0x47: {  	[sflag:s30] =	ssyncset.done $0x0  }
0x48: {  	[sflag:s30] =	ssyncadd.s32 $0xFFFFFF60  }
0x49: {  	[tilespmem:s2], [sflag:$0x2] =	stream.indirect.gather [hbm4b:s1+s28], $0x80, s8, s28, $0xb8;
	[tilespmem:$0x1C4D0] =	vst v63  }
0x4a: {  	s26 =	rddreg [dreg:$0xc]  }
0x4b: {  	[tilespmem:s10], [sflag:$0x4] =	stream.strided.gather [hbm4b:s26+s28], $0x500, s29, s28, $0x38;
	[tilespmem:$0x1C4D0] =	vst v63  }
0x4c: {  	s26 =	simm.s32 $0x0  }
.LBB2_2:
0x4d: {  	s9 =	simm.s32 $0x0  }
0x4e: {  	v9 =	vmov s9  }
0x4f: {  	v9 =	vshrl.u32 v9, $0x3  }
0x50: {  	v9 =	vshll.u32 v9, v1  }
0x51: {  	_ =	swait.ge [sflag:s11], $0x2800;
	v9 =	vbroadcast v9, $0x0  }
0x52: {  	[sflag:s11] =	ssyncset.done $0x0  }
0x53: {  	s25 =	simm.s32 $0x1;
	[sflag:s11] =	ssyncadd.s32 $0xFFFFD800;
	v9 =	vadd.s32 v0, v9  }
0x54: {  	v10 =	vmov s25;
	[spmem:s3] =	stream.indirect.scatter.add.f32 [tilespmem:s31], [sflag:$0x5], $0x80, s28, s28, $0xb8;
	[tilespmem:$0x1C4D0] =	vst v63  }
0x55: {  	v10 =	vshrl.u32 v10, $0x3;
	_ =	swait.ge [sflag:s12], $0x500  }
0x56: {  	v10 =	vshll.u32 v10, v1;
	[sflag:s12] =	ssyncset.done $0x0  }
0x57: {  	v10 =	vbroadcast v10, $0x0;
	[sflag:s12] =	ssyncadd.s32 $0xFFFFFB00  }
0x58: {  	v9 =	vld.idx.msk [tilespmem:v9+s0+$0x0], $0xffff  }
0x59: {  	s19 =	simm.s32 $0x2;
	v10 =	vadd.s32 v2, v10  }
0x5a: {  	v11 =	vmov s19  }
0x5b: {  	v11 =	vshrl.u32 v11, $0x3  }
0x5c: {  	s9 =	simm.s32 $0x5B80;
	v11 =	vshll.u32 v11, v1  }
0x5d: {  	[tilespmem:s9+$0xFFFFFFC0] =	vst v9;
	v9 =	vbroadcast v11, $0x0  }
0x5e: {  	v10 =	vld.idx.msk [tilespmem:v10+s0+$0x0], $0xffff  }
0x5f: {  	s19 =	simm.s32 $0x3;
	v9 =	vadd.s32 v3, v9  }
0x60: {  	v11 =	vmov s19  }
0x61: {  	v11 =	vshrl.u32 v11, $0x3  }
0x62: {  	v11 =	vshll.u32 v11, v1  }
0x63: {  	[tilespmem:s9+$0xFFFFFFD0] =	vst v10;
	v10 =	vbroadcast v11, $0x0  }
0x64: {  	v9 =	vld.idx.msk [tilespmem:v9+s0+$0x0], $0xffff  }
0x65: {  	s24 =	simm.s32 $0x4;
	v10 =	vadd.s32 v4, v10  }
0x66: {  	v11 =	vmov s24  }
0x67: {  	v11 =	vshrl.u32 v11, $0x3  }
0x68: {  	v11 =	vshll.u32 v11, v1  }
0x69: {  	[tilespmem:s9+$0xFFFFFFE0] =	vst v9;
	v9 =	vbroadcast v11, $0x0  }
0x6a: {  	v10 =	vld.idx.msk [tilespmem:v10+s0+$0x0], $0xffff  }
0x6b: {  	s25 =	simm.s32 $0x5;
	v9 =	vadd.s32 v5, v9  }
0x6c: {  	v11 =	vmov s25  }
0x6d: {  	v11 =	vshrl.u32 v11, $0x3  }
0x6e: {  	v11 =	vshll.u32 v11, v1  }
0x6f: {  	[tilespmem:s9+$0xFFFFFFF0] =	vst v10;
	v10 =	vbroadcast v11, $0x0  }
0x70: {  	v9 =	vld.idx.msk [tilespmem:v9+s0+$0x0], $0xffff  }
0x71: {  	s24 =	simm.s32 $0x6;
	v10 =	vadd.s32 v6, v10  }
0x72: {  	v11 =	vmov s24  }
0x73: {  	v11 =	vshrl.u32 v11, $0x3  }
0x74: {  	v11 =	vshll.u32 v11, v1  }
0x75: {  	[tilespmem:s9+$0x0] =	vst v9;
	v9 =	vbroadcast v11, $0x0  }
0x76: {  	v10 =	vld.idx.msk [tilespmem:v10+s0+$0x0], $0xffff  }
0x77: {  	s25 =	simm.s32 $0x7;
	v9 =	vadd.s32 v7, v9  }
0x78: {  	v11 =	vmov s25  }
0x79: {  	v11 =	vshrl.u32 v11, $0x3  }
0x7a: {  	v11 =	vshll.u32 v11, v1  }
0x7b: {  	v11 =	vbroadcast v11, $0x0;
	[tilespmem:s9+$0x10] =	vst v10  }
0x7c: {  	v9 =	vld.idx.msk [tilespmem:v9+s0+$0x0], $0xffff  }
0x7d: {  	v10 =	vadd.s32 v8, v11  }
0x7e: {  	s19 =	simm.s32 $0x8;
	s24 =	simm.s32 $0x17;
	s25 =	simm.s32 $0xF  }
.LBB2_3:
0x7f: {  	p1 =	sne.s32 s24, $0x4F;
	v11 =	vmov s19  }
0x80: {  	v11 =	vshrl.u32 v11, $0x3  }
0x81: {  	v11 =	vshll.u32 v11, v1;
	[tilespmem:s9+$0x20] =	vst v9  }
0x82: {  	v9 =	vbroadcast v11, $0x0;
	v10 =	vld.idx.msk [tilespmem:v10+s0+$0x0], $0xffff;
	_ =	sdelay $0x1  }
0x83: {  	v9 =	vadd.s32 v0, v9  }
0x84: {  	s19 =	sadd.s32 $0xFFFFFFFA, s25  }
0x85: {  	v11 =	vmov s19  }
0x86: {  	v11 =	vshrl.u32 v11, $0x3  }
0x87: {  	v11 =	vshll.u32 v11, v1;
	[tilespmem:s9+$0x30] =	vst v10  }
0x88: {  	v10 =	vbroadcast v11, $0x0;
	v9 =	vld.idx.msk [tilespmem:v9+s0+$0x0], $0xffff;
	_ =	sdelay $0x1  }
0x89: {  	v10 =	vadd.s32 v2, v10  }
0x8a: {  	s19 =	sadd.s32 $0xFFFFFFFB, s25  }
0x8b: {  	v11 =	vmov s19  }
0x8c: {  	s9 =	sadd.s32 $0x80, s9;
	v11 =	vshrl.u32 v11, $0x3  }
0x8d: {  	[tilespmem:s9+$0xFFFFFFC0] =	vst v9;
	v9 =	vshll.u32 v11, v1  }
0x8e: {  	v10 =	vld.idx.msk [tilespmem:v10+s0+$0x0], $0xffff;
	v9 =	vbroadcast v9, $0x0;
	_ =	sdelay $0x1  }
0x8f: {  	v9 =	vadd.s32 v3, v9  }
0x90: {  	s19 =	sadd.s32 $0xFFFFFFFC, s25  }
0x91: {  	v11 =	vmov s19  }
0x92: {  	v11 =	vshrl.u32 v11, $0x3  }
0x93: {  	[tilespmem:s9+$0xFFFFFFD0] =	vst v10;
	v10 =	vshll.u32 v11, v1  }
0x94: {  	v9 =	vld.idx.msk [tilespmem:v9+s0+$0x0], $0xffff;
	v10 =	vbroadcast v10, $0x0;
	_ =	sdelay $0x1  }
0x95: {  	v10 =	vadd.s32 v4, v10  }
0x96: {  	s19 =	sadd.s32 $0xFFFFFFFD, s25  }
0x97: {  	v11 =	vmov s19  }
0x98: {  	v11 =	vshrl.u32 v11, $0x3  }
0x99: {  	[tilespmem:s9+$0xFFFFFFE0] =	vst v9;
	v9 =	vshll.u32 v11, v1  }
0x9a: {  	v10 =	vld.idx.msk [tilespmem:v10+s0+$0x0], $0xffff;
	v9 =	vbroadcast v9, $0x0;
	_ =	sdelay $0x1  }
0x9b: {  	v9 =	vadd.s32 v5, v9  }
0x9c: {  	s19 =	sadd.s32 $0xFFFFFFFE, s25  }
0x9d: {  	v11 =	vmov s19  }
0x9e: {  	v11 =	vshrl.u32 v11, $0x3  }
0x9f: {  	[tilespmem:s9+$0xFFFFFFF0] =	vst v10;
	v10 =	vshll.u32 v11, v1  }
0xa0: {  	v9 =	vld.idx.msk [tilespmem:v9+s0+$0x0], $0xffff;
	v10 =	vbroadcast v10, $0x0;
	_ =	sdelay $0x1  }
0xa1: {  	v10 =	vadd.s32 v6, v10  }
0xa2: {  	s19 =	sadd.s32 $0xFFFFFFFF, s25  }
0xa3: {  	v11 =	vmov s19  }
0xa4: {  	v11 =	vshrl.u32 v11, $0x3  }
0xa5: {  	[tilespmem:s9+$0x0] =	vst v9;
	v9 =	vshll.u32 v11, v1  }
0xa6: {  	v10 =	vld.idx.msk [tilespmem:v10+s0+$0x0], $0xffff;
	v9 =	vbroadcast v9, $0x0;
	_ =	sdelay $0x1  }
0xa7: {  	v9 =	vadd.s32 v7, v9;
	_ =	sdelay $0x1  }
0xa8: {  	v11 =	vmov s25;
	s25 =	smov.u32 s24  }
0xa9: {  	v11 =	vshrl.u32 v11, $0x3  }
.Ltmp0:
0xaa: {  	[tilespmem:s9+$0x10] =	vst v10;
	v10 =	vshll.u32 v11, v1;
	(pc) =	sbr.rel @p1 .LBB2_3-.Ltmp0, $3  }
0xab: {  	v9 =	vld.idx.msk [tilespmem:v9+s0+$0x0], $0xffff;
	v10 =	vbroadcast v10, $0x0;
	_ =	sdelay $0x1  }
0xac: {  	v10 =	vadd.s32 v8, v10  }
0xad: {  	s24 =	sadd.s32 $0x8, s24;
	s19 =	sadd.s32 $0xFFFFFFF9, s25  }
0xae: {  	v11 =	vmov s19  }
0xaf: {  	v11 =	vshrl.u32 v11, $0x3  }
0xb0: {  	v11 =	vshll.u32 v11, v1  }
0xb1: {  	[tilespmem:s9+$0x20] =	vst v9;
	v9 =	vbroadcast v11, $0x0  }
0xb2: {  	v10 =	vld.idx.msk [tilespmem:v10+s0+$0x0], $0xffff  }
0xb3: {  	s24 =	sadd.s32 $0xFFFFFFFA, s25;
	v9 =	vadd.s32 v0, v9  }
0xb4: {  	v11 =	vmov s24  }
0xb5: {  	v11 =	vshrl.u32 v11, $0x3  }
0xb6: {  	v11 =	vshll.u32 v11, v1  }
0xb7: {  	[tilespmem:s9+$0x30] =	vst v10;
	v10 =	vbroadcast v11, $0x0  }
0xb8: {  	v9 =	vld.idx.msk [tilespmem:v9+s0+$0x0], $0xffff  }
0xb9: {  	s24 =	sadd.s32 $0xFFFFFFFB, s25;
	v10 =	vadd.s32 v2, v10  }
0xba: {  	v11 =	vmov s24  }
0xbb: {  	v11 =	vshrl.u32 v11, $0x3  }
0xbc: {  	s9 =	sadd.s32 $0x80, s9;
	v11 =	vshll.u32 v11, v1  }
0xbd: {  	[tilespmem:s9+$0xFFFFFFC0] =	vst v9;
	v9 =	vbroadcast v11, $0x0  }
0xbe: {  	v10 =	vld.idx.msk [tilespmem:v10+s0+$0x0], $0xffff  }
0xbf: {  	s24 =	sadd.s32 $0xFFFFFFFC, s25;
	v9 =	vadd.s32 v3, v9  }
0xc0: {  	v11 =	vmov s24  }
0xc1: {  	v11 =	vshrl.u32 v11, $0x3  }
0xc2: {  	v11 =	vshll.u32 v11, v1  }
0xc3: {  	[tilespmem:s9+$0xFFFFFFD0] =	vst v10;
	v10 =	vbroadcast v11, $0x0  }
0xc4: {  	v9 =	vld.idx.msk [tilespmem:v9+s0+$0x0], $0xffff  }
0xc5: {  	s24 =	sadd.s32 $0xFFFFFFFD, s25;
	v10 =	vadd.s32 v4, v10  }
0xc6: {  	v11 =	vmov s24  }
0xc7: {  	v11 =	vshrl.u32 v11, $0x3  }
0xc8: {  	v11 =	vshll.u32 v11, v1  }
0xc9: {  	[tilespmem:s9+$0xFFFFFFE0] =	vst v9;
	v9 =	vbroadcast v11, $0x0  }
0xca: {  	v10 =	vld.idx.msk [tilespmem:v10+s0+$0x0], $0xffff  }
0xcb: {  	s24 =	sadd.s32 $0xFFFFFFFE, s25;
	v9 =	vadd.s32 v5, v9  }
0xcc: {  	v11 =	vmov s24  }
0xcd: {  	v11 =	vshrl.u32 v11, $0x3  }
0xce: {  	v11 =	vshll.u32 v11, v1  }
0xcf: {  	[tilespmem:s9+$0xFFFFFFF0] =	vst v10;
	v10 =	vbroadcast v11, $0x0  }
0xd0: {  	v9 =	vld.idx.msk [tilespmem:v9+s0+$0x0], $0xffff  }
0xd1: {  	s24 =	sadd.s32 $0xFFFFFFFF, s25;
	v10 =	vadd.s32 v6, v10  }
0xd2: {  	v11 =	vmov s24  }
0xd3: {  	v11 =	vshrl.u32 v11, $0x3  }
0xd4: {  	v11 =	vshll.u32 v11, v1  }
0xd5: {  	[tilespmem:s9+$0x0] =	vst v9;
	v9 =	vbroadcast v11, $0x0  }
0xd6: {  	v10 =	vld.idx.msk [tilespmem:v10+s0+$0x0], $0xffff  }
0xd7: {  	v9 =	vadd.s32 v7, v9  }
0xd8: {  	v11 =	vmov s25  }
0xd9: {  	v11 =	vshrl.u32 v11, $0x3  }
0xda: {  	v11 =	vshll.u32 v11, v1  }
0xdb: {  	[tilespmem:s9+$0x10] =	vst v10;
	v10 =	vbroadcast v11, $0x0  }
0xdc: {  	v9 =	vld.idx.msk [tilespmem:v9+s0+$0x0], $0xffff  }
0xdd: {  	v10 =	vadd.s32 v8, v10;
	_ =	sdelay $0x3  }
0xde: {  	[tilespmem:s9+$0x20] =	vst v9  }
0xdf: {  	v9 =	vld.idx.msk [tilespmem:v10+s0+$0x0], $0xffff;
	_ =	sdelay $0x2  }
0xe0: {  	s25 =	simm.s32 $0x0  }
0xe1: {  	v10 =	vmov s25  }
0xe2: {  	[tilespmem:s9+$0x30] =	vst v9;
	v9 =	vshrl.u32 v10, $0x3  }
0xe3: {  	[spmem:s4] =	stream.indirect.scatter.add.f32 [tilespmem:s13], [sflag:$0x7], $0x10, s28, s28, $0xb8;
	v9 =	vshll.u32 v9, v1;
	[tilespmem:$0x1C4D0] =	vst v63  }
0xe4: {  	_ =	swait.ge [sflag:s14], $0x2800;
	v9 =	vbroadcast v9, $0x0  }
0xe5: {  	[sflag:s14] =	ssyncset.done $0x0  }
0xe6: {  	s19 =	simm.s32 $0x1;
	[sflag:s14] =	ssyncadd.s32 $0xFFFFD800;
	v9 =	vadd.s32 v0, v9  }
0xe7: {  	v10 =	vmov s19;
	[spmem:s3] =	stream.indirect.scatter.add.f32 [tilespmem:s2], [sflag:$0x6], $0x80, s15, s28, $0xb8;
	[tilespmem:$0x1C4D0] =	vst v63  }
0xe8: {  	v10 =	vshrl.u32 v10, $0x3;
	_ =	swait.ge [sflag:s16], $0x500  }
0xe9: {  	v10 =	vshll.u32 v10, v1;
	[sflag:s16] =	ssyncset.done $0x0  }
0xea: {  	v10 =	vbroadcast v10, $0x0;
	[sflag:s16] =	ssyncadd.s32 $0xFFFFFB00  }
0xeb: {  	v9 =	vld.idx.msk [tilespmem:v9+s10+$0x0], $0xffff  }
0xec: {  	s24 =	simm.s32 $0x2;
	v10 =	vadd.s32 v2, v10  }
0xed: {  	v11 =	vmov s24  }
0xee: {  	v11 =	vshrl.u32 v11, $0x3  }
0xef: {  	v11 =	vshll.u32 v11, v1;
	s9 =	simm.s32 $0x6080  }
0xf0: {  	[tilespmem:s9+$0xFFFFFFC0] =	vst v9;
	v9 =	vbroadcast v11, $0x0  }
0xf1: {  	v10 =	vld.idx.msk [tilespmem:v10+s10+$0x0], $0xffff  }
0xf2: {  	s25 =	simm.s32 $0x3;
	v9 =	vadd.s32 v3, v9  }
0xf3: {  	v11 =	vmov s25  }
0xf4: {  	v11 =	vshrl.u32 v11, $0x3  }
0xf5: {  	v11 =	vshll.u32 v11, v1  }
0xf6: {  	[tilespmem:s9+$0xFFFFFFD0] =	vst v10;
	v10 =	vbroadcast v11, $0x0  }
0xf7: {  	v9 =	vld.idx.msk [tilespmem:v9+s10+$0x0], $0xffff  }
0xf8: {  	s24 =	simm.s32 $0x4;
	v10 =	vadd.s32 v4, v10  }
0xf9: {  	v11 =	vmov s24  }
0xfa: {  	v11 =	vshrl.u32 v11, $0x3  }
0xfb: {  	v11 =	vshll.u32 v11, v1  }
0xfc: {  	[tilespmem:s9+$0xFFFFFFE0] =	vst v9;
	v9 =	vbroadcast v11, $0x0  }
0xfd: {  	v10 =	vld.idx.msk [tilespmem:v10+s10+$0x0], $0xffff  }
0xfe: {  	s25 =	simm.s32 $0x5;
	v9 =	vadd.s32 v5, v9  }
0xff: {  	v11 =	vmov s25  }
0x100: {  	v11 =	vshrl.u32 v11, $0x3  }
0x101: {  	v11 =	vshll.u32 v11, v1  }
0x102: {  	[tilespmem:s9+$0xFFFFFFF0] =	vst v10;
	v10 =	vbroadcast v11, $0x0  }
0x103: {  	v9 =	vld.idx.msk [tilespmem:v9+s10+$0x0], $0xffff  }
0x104: {  	s24 =	simm.s32 $0x6;
	v10 =	vadd.s32 v6, v10  }
0x105: {  	v11 =	vmov s24  }
0x106: {  	v11 =	vshrl.u32 v11, $0x3  }
0x107: {  	v11 =	vshll.u32 v11, v1  }
0x108: {  	[tilespmem:s9+$0x0] =	vst v9;
	v9 =	vbroadcast v11, $0x0  }
0x109: {  	v10 =	vld.idx.msk [tilespmem:v10+s10+$0x0], $0xffff  }
0x10a: {  	s25 =	simm.s32 $0x7;
	v9 =	vadd.s32 v7, v9  }
0x10b: {  	v11 =	vmov s25  }
0x10c: {  	v11 =	vshrl.u32 v11, $0x3  }
0x10d: {  	v11 =	vshll.u32 v11, v1  }
0x10e: {  	v11 =	vbroadcast v11, $0x0;
	[tilespmem:s9+$0x10] =	vst v10  }
0x10f: {  	v9 =	vld.idx.msk [tilespmem:v9+s10+$0x0], $0xffff  }
0x110: {  	v10 =	vadd.s32 v8, v11  }
0x111: {  	s19 =	simm.s32 $0x8;
	s24 =	simm.s32 $0x17;
	s25 =	simm.s32 $0xF  }
.LBB2_5:
0x112: {  	p1 =	sne.s32 s24, $0x4F;
	v11 =	vmov s19  }
0x113: {  	v11 =	vshrl.u32 v11, $0x3  }
0x114: {  	v11 =	vshll.u32 v11, v1;
	[tilespmem:s9+$0x20] =	vst v9  }
0x115: {  	v9 =	vbroadcast v11, $0x0;
	v10 =	vld.idx.msk [tilespmem:v10+s10+$0x0], $0xffff;
	_ =	sdelay $0x1  }
0x116: {  	v9 =	vadd.s32 v0, v9  }
0x117: {  	s19 =	sadd.s32 $0xFFFFFFFA, s25  }
0x118: {  	v11 =	vmov s19  }
0x119: {  	v11 =	vshrl.u32 v11, $0x3  }
0x11a: {  	v11 =	vshll.u32 v11, v1;
	[tilespmem:s9+$0x30] =	vst v10  }
0x11b: {  	v10 =	vbroadcast v11, $0x0;
	v9 =	vld.idx.msk [tilespmem:v9+s10+$0x0], $0xffff;
	_ =	sdelay $0x1  }
0x11c: {  	v10 =	vadd.s32 v2, v10  }
0x11d: {  	s19 =	sadd.s32 $0xFFFFFFFB, s25  }
0x11e: {  	v11 =	vmov s19  }
0x11f: {  	s9 =	sadd.s32 $0x80, s9;
	v11 =	vshrl.u32 v11, $0x3  }
0x120: {  	[tilespmem:s9+$0xFFFFFFC0] =	vst v9;
	v9 =	vshll.u32 v11, v1  }
0x121: {  	v10 =	vld.idx.msk [tilespmem:v10+s10+$0x0], $0xffff;
	v9 =	vbroadcast v9, $0x0;
	_ =	sdelay $0x1  }
0x122: {  	v9 =	vadd.s32 v3, v9  }
0x123: {  	s19 =	sadd.s32 $0xFFFFFFFC, s25  }
0x124: {  	v11 =	vmov s19  }
0x125: {  	v11 =	vshrl.u32 v11, $0x3  }
0x126: {  	[tilespmem:s9+$0xFFFFFFD0] =	vst v10;
	v10 =	vshll.u32 v11, v1  }
0x127: {  	v9 =	vld.idx.msk [tilespmem:v9+s10+$0x0], $0xffff;
	v10 =	vbroadcast v10, $0x0;
	_ =	sdelay $0x1  }
0x128: {  	v10 =	vadd.s32 v4, v10  }
0x129: {  	s19 =	sadd.s32 $0xFFFFFFFD, s25  }
0x12a: {  	v11 =	vmov s19  }
0x12b: {  	v11 =	vshrl.u32 v11, $0x3  }
0x12c: {  	[tilespmem:s9+$0xFFFFFFE0] =	vst v9;
	v9 =	vshll.u32 v11, v1  }
0x12d: {  	v10 =	vld.idx.msk [tilespmem:v10+s10+$0x0], $0xffff;
	v9 =	vbroadcast v9, $0x0;
	_ =	sdelay $0x1  }
0x12e: {  	v9 =	vadd.s32 v5, v9  }
0x12f: {  	s19 =	sadd.s32 $0xFFFFFFFE, s25  }
0x130: {  	v11 =	vmov s19  }
0x131: {  	v11 =	vshrl.u32 v11, $0x3  }
0x132: {  	[tilespmem:s9+$0xFFFFFFF0] =	vst v10;
	v10 =	vshll.u32 v11, v1  }
0x133: {  	v9 =	vld.idx.msk [tilespmem:v9+s10+$0x0], $0xffff;
	v10 =	vbroadcast v10, $0x0;
	_ =	sdelay $0x1  }
0x134: {  	v10 =	vadd.s32 v6, v10  }
0x135: {  	s19 =	sadd.s32 $0xFFFFFFFF, s25  }
0x136: {  	v11 =	vmov s19  }
0x137: {  	v11 =	vshrl.u32 v11, $0x3  }
0x138: {  	[tilespmem:s9+$0x0] =	vst v9;
	v9 =	vshll.u32 v11, v1  }
0x139: {  	v10 =	vld.idx.msk [tilespmem:v10+s10+$0x0], $0xffff;
	v9 =	vbroadcast v9, $0x0;
	_ =	sdelay $0x1  }
0x13a: {  	v9 =	vadd.s32 v7, v9;
	_ =	sdelay $0x1  }
0x13b: {  	v11 =	vmov s25;
	s25 =	smov.u32 s24  }
0x13c: {  	v11 =	vshrl.u32 v11, $0x3  }
.Ltmp1:
0x13d: {  	[tilespmem:s9+$0x10] =	vst v10;
	v10 =	vshll.u32 v11, v1;
	(pc) =	sbr.rel @p1 .LBB2_5-.Ltmp1, $3  }
0x13e: {  	v9 =	vld.idx.msk [tilespmem:v9+s10+$0x0], $0xffff;
	v10 =	vbroadcast v10, $0x0;
	_ =	sdelay $0x1  }
0x13f: {  	v10 =	vadd.s32 v8, v10  }
0x140: {  	s24 =	sadd.s32 $0x8, s24;
	s19 =	sadd.s32 $0xFFFFFFF9, s25  }
0x141: {  	v11 =	vmov s19  }
0x142: {  	v11 =	vshrl.u32 v11, $0x3  }
0x143: {  	v11 =	vshll.u32 v11, v1  }
0x144: {  	[tilespmem:s9+$0x20] =	vst v9;
	v9 =	vbroadcast v11, $0x0  }
0x145: {  	v10 =	vld.idx.msk [tilespmem:v10+s10+$0x0], $0xffff  }
0x146: {  	s24 =	sadd.s32 $0xFFFFFFFA, s25;
	v9 =	vadd.s32 v0, v9  }
0x147: {  	v11 =	vmov s24  }
0x148: {  	v11 =	vshrl.u32 v11, $0x3  }
0x149: {  	v11 =	vshll.u32 v11, v1  }
0x14a: {  	[tilespmem:s9+$0x30] =	vst v10;
	v10 =	vbroadcast v11, $0x0  }
0x14b: {  	v9 =	vld.idx.msk [tilespmem:v9+s10+$0x0], $0xffff  }
0x14c: {  	s24 =	sadd.s32 $0xFFFFFFFB, s25;
	v10 =	vadd.s32 v2, v10  }
0x14d: {  	v11 =	vmov s24  }
0x14e: {  	v11 =	vshrl.u32 v11, $0x3  }
0x14f: {  	s9 =	sadd.s32 $0x80, s9;
	v11 =	vshll.u32 v11, v1  }
0x150: {  	[tilespmem:s9+$0xFFFFFFC0] =	vst v9;
	v9 =	vbroadcast v11, $0x0  }
0x151: {  	v10 =	vld.idx.msk [tilespmem:v10+s10+$0x0], $0xffff  }
0x152: {  	s24 =	sadd.s32 $0xFFFFFFFC, s25;
	v9 =	vadd.s32 v3, v9  }
0x153: {  	v11 =	vmov s24  }
0x154: {  	v11 =	vshrl.u32 v11, $0x3  }
0x155: {  	v11 =	vshll.u32 v11, v1  }
0x156: {  	[tilespmem:s9+$0xFFFFFFD0] =	vst v10;
	v10 =	vbroadcast v11, $0x0  }
0x157: {  	v9 =	vld.idx.msk [tilespmem:v9+s10+$0x0], $0xffff  }
0x158: {  	s24 =	sadd.s32 $0xFFFFFFFD, s25;
	v10 =	vadd.s32 v4, v10  }
0x159: {  	v11 =	vmov s24  }
0x15a: {  	v11 =	vshrl.u32 v11, $0x3  }
0x15b: {  	v11 =	vshll.u32 v11, v1  }
0x15c: {  	[tilespmem:s9+$0xFFFFFFE0] =	vst v9;
	v9 =	vbroadcast v11, $0x0  }
0x15d: {  	v10 =	vld.idx.msk [tilespmem:v10+s10+$0x0], $0xffff  }
0x15e: {  	s24 =	sadd.s32 $0xFFFFFFFE, s25;
	v9 =	vadd.s32 v5, v9  }
0x15f: {  	v11 =	vmov s24  }
0x160: {  	v11 =	vshrl.u32 v11, $0x3  }
0x161: {  	v11 =	vshll.u32 v11, v1  }
0x162: {  	[tilespmem:s9+$0xFFFFFFF0] =	vst v10;
	v10 =	vbroadcast v11, $0x0  }
0x163: {  	v9 =	vld.idx.msk [tilespmem:v9+s10+$0x0], $0xffff  }
0x164: {  	s24 =	sadd.s32 $0xFFFFFFFF, s25;
	v10 =	vadd.s32 v6, v10  }
0x165: {  	v11 =	vmov s24  }
0x166: {  	v11 =	vshrl.u32 v11, $0x3  }
0x167: {  	v11 =	vshll.u32 v11, v1  }
0x168: {  	[tilespmem:s9+$0x0] =	vst v9;
	v9 =	vbroadcast v11, $0x0  }
0x169: {  	v10 =	vld.idx.msk [tilespmem:v10+s10+$0x0], $0xffff  }
0x16a: {  	v9 =	vadd.s32 v7, v9  }
0x16b: {  	v11 =	vmov s25  }
0x16c: {  	v11 =	vshrl.u32 v11, $0x3  }
0x16d: {  	v11 =	vshll.u32 v11, v1  }
0x16e: {  	[tilespmem:s9+$0x10] =	vst v10;
	v10 =	vbroadcast v11, $0x0  }
0x16f: {  	v9 =	vld.idx.msk [tilespmem:v9+s10+$0x0], $0xffff  }
0x170: {  	v10 =	vadd.s32 v8, v10;
	_ =	sdelay $0x3  }
0x171: {  	[tilespmem:s9+$0x20] =	vst v9  }
0x172: {  	v9 =	vld.idx.msk [tilespmem:v10+s10+$0x0], $0xffff;
	_ =	sdelay $0x4  }
0x173: {  	s24 =	simm.s32 $0x6040;
	[tilespmem:s9+$0x30] =	vst v9  }
0x174: {  	[spmem:s4] =	stream.indirect.scatter.add.f32 [tilespmem:s24], [sflag:$0x8], $0x10, s15, s28, $0xb8;
	[tilespmem:$0x1C4D0] =	vst v63  }
0x175: {  	_ =	swait.ge [sflag:s20], $0x2800  }
0x176: {  	s9 =	smul.u32 $0xA0, s26;
	[sflag:s20] =	ssyncset.done $0x0  }
0x177: {  	[sflag:s20] =	ssyncadd.s32 $0xFFFFD800  }
0x178: {  	s25 =	sadd.s32 s9, s17;
	_ =	swait.ge [sflag:s21], $0x500  }
0x179: {  	s19 =	sshrl.u32 s25, $0x3;
	[sflag:s21] =	ssyncset.done $0x0  }
0x17a: {  	s24 =	sadd.s32 s6, s19;
	[sflag:s21] =	ssyncadd.s32 $0xFFFFFB00  }
0x17b: {  	[tilespmem:s5], [sflag:$0x9] =	stream.strided.gather [hbm4b:s24+s28], $0xA0, s29, s28, $0x38;
	[tilespmem:$0x1C4D0] =	vst v63  }
0x17c: {  	_ =	swait.ge [sflag:s30], $0xA0  }
0x17d: {  	[sflag:s30] =	ssyncset.done $0x0  }
0x17e: {  	[sflag:s30] =	ssyncadd.s32 $0xFFFFFF60  }
0x17f: {  	[tilespmem:s31], [sflag:$0x1] =	stream.indirect.gather [hbm4b:s1+s28], $0x80, s5, s28, $0xb8;
	[tilespmem:$0x1C4D0] =	vst v63  }
0x180: {  	s19 =	sadd.s32 s7, s19  }
0x181: {  	[tilespmem:s0], [sflag:$0x3] =	stream.strided.gather [hbm4b:s19+s28], $0x500, s29, s28, $0x38;
	[tilespmem:$0x1C4D0] =	vst v63  }
0x182: {  	p1 =	seq.s32 s26, $0x3D;
	_ =	swait.ge [sflag:s22], $0x2800  }
.Ltmp2:
0x183: {  	[sflag:s22] =	ssyncset.done $0x0;
	(pc) =	sbr.rel @p1 .LBB2_8-.Ltmp2, $4  }
0x184: {  	[sflag:s22] =	ssyncadd.s32 $0xFFFFD800  }
0x185: {  	_ =	swait.ge [sflag:s23], $0x500  }
0x186: {  	[sflag:s23] =	ssyncset.done $0x0  }
0x187: {  	[sflag:s23] =	ssyncadd.s32 $0xFFFFFB00  }
0x188: {  	s9 =	sadd.s32 s9, s18  }
0x189: {  	s9 =	sshrl.u32 s9, $0x3  }
0x18a: {  	s19 =	sadd.s32 s6, s9  }
0x18b: {  	[tilespmem:s8], [sflag:$0x9] =	stream.strided.gather [hbm4b:s19+s28], $0xA0, s29, s28, $0x38;
	[tilespmem:$0x1C4D0] =	vst v63  }
0x18c: {  	_ =	swait.ge [sflag:s30], $0xA0  }
.Ltmp3:
0x18d: {  	[sflag:s30] =	ssyncset.done $0x0;
	(pc) =	sbr.rel .LBB2_2-.Ltmp3, $4  }
0x18e: {  	[sflag:s30] =	ssyncadd.s32 $0xFFFFFF60  }
0x18f: {  	[tilespmem:s2], [sflag:$0x2] =	stream.indirect.gather [hbm4b:s1+s28], $0x80, s8, s28, $0xb8;
	[tilespmem:$0x1C4D0] =	vst v63  }
0x190: {  	s26 =	sadd.s32 $0x1, s26;
	s9 =	sadd.s32 s7, s9  }
0x191: {  	[tilespmem:s10], [sflag:$0x4] =	stream.strided.gather [hbm4b:s9+s28], $0x500, s29, s28, $0x38;
	[tilespmem:$0x1C4D0] =	vst v63  }
.LBB2_8:
0x192: {  	s9 =	simm.s32 $0x0  }
0x193: {  	v9 =	vmov s9  }
0x194: {  	v9 =	vshrl.u32 v9, $0x3  }
0x195: {  	v9 =	vshll.u32 v9, v1  }
0x196: {  	_ =	swait.ge [sflag:s11], $0x2800;
	v9 =	vbroadcast v9, $0x0  }
0x197: {  	[sflag:s11] =	ssyncset.done $0x0  }
0x198: {  	s24 =	simm.s32 $0x1;
	[sflag:s11] =	ssyncadd.s32 $0xFFFFD800;
	v9 =	vadd.s32 v0, v9  }
0x199: {  	v10 =	vmov s24;
	[spmem:s3] =	stream.indirect.scatter.add.f32 [tilespmem:s31], [sflag:$0x5], $0x80, s28, s28, $0xb8;
	[tilespmem:$0x1C4D0] =	vst v63  }
0x19a: {  	v10 =	vshrl.u32 v10, $0x3;
	_ =	swait.ge [sflag:s12], $0x500  }
0x19b: {  	v10 =	vshll.u32 v10, v1;
	[sflag:s12] =	ssyncset.done $0x0  }
0x19c: {  	v10 =	vbroadcast v10, $0x0;
	[sflag:s12] =	ssyncadd.s32 $0xFFFFFB00  }
0x19d: {  	v9 =	vld.idx.msk [tilespmem:v9+s0+$0x0], $0xffff  }
0x19e: {  	s25 =	simm.s32 $0x2;
	v10 =	vadd.s32 v2, v10  }
0x19f: {  	v11 =	vmov s25  }
0x1a0: {  	v11 =	vshrl.u32 v11, $0x3  }
0x1a1: {  	s9 =	simm.s32 $0x5B80;
	v11 =	vshll.u32 v11, v1  }
0x1a2: {  	[tilespmem:s9+$0xFFFFFFC0] =	vst v9;
	v9 =	vbroadcast v11, $0x0  }
0x1a3: {  	v10 =	vld.idx.msk [tilespmem:v10+s0+$0x0], $0xffff  }
0x1a4: {  	s19 =	simm.s32 $0x3;
	v9 =	vadd.s32 v3, v9  }
0x1a5: {  	v11 =	vmov s19  }
0x1a6: {  	v11 =	vshrl.u32 v11, $0x3  }
0x1a7: {  	v11 =	vshll.u32 v11, v1  }
0x1a8: {  	[tilespmem:s9+$0xFFFFFFD0] =	vst v10;
	v10 =	vbroadcast v11, $0x0  }
0x1a9: {  	v9 =	vld.idx.msk [tilespmem:v9+s0+$0x0], $0xffff  }
0x1aa: {  	s26 =	simm.s32 $0x4;
	v10 =	vadd.s32 v4, v10  }
0x1ab: {  	v11 =	vmov s26  }
0x1ac: {  	v11 =	vshrl.u32 v11, $0x3  }
0x1ad: {  	v11 =	vshll.u32 v11, v1  }
0x1ae: {  	[tilespmem:s9+$0xFFFFFFE0] =	vst v9;
	v9 =	vbroadcast v11, $0x0  }
0x1af: {  	v10 =	vld.idx.msk [tilespmem:v10+s0+$0x0], $0xffff  }
0x1b0: {  	s24 =	simm.s32 $0x5;
	v9 =	vadd.s32 v5, v9  }
0x1b1: {  	v11 =	vmov s24  }
0x1b2: {  	v11 =	vshrl.u32 v11, $0x3  }
0x1b3: {  	v11 =	vshll.u32 v11, v1  }
0x1b4: {  	[tilespmem:s9+$0xFFFFFFF0] =	vst v10;
	v10 =	vbroadcast v11, $0x0  }
0x1b5: {  	v9 =	vld.idx.msk [tilespmem:v9+s0+$0x0], $0xffff  }
0x1b6: {  	s25 =	simm.s32 $0x6;
	v10 =	vadd.s32 v6, v10  }
0x1b7: {  	v11 =	vmov s25  }
0x1b8: {  	v11 =	vshrl.u32 v11, $0x3  }
0x1b9: {  	v11 =	vshll.u32 v11, v1  }
0x1ba: {  	[tilespmem:s9+$0x0] =	vst v9;
	v9 =	vbroadcast v11, $0x0  }
0x1bb: {  	v10 =	vld.idx.msk [tilespmem:v10+s0+$0x0], $0xffff  }
0x1bc: {  	s26 =	simm.s32 $0x7;
	v9 =	vadd.s32 v7, v9  }
0x1bd: {  	v11 =	vmov s26  }
0x1be: {  	v11 =	vshrl.u32 v11, $0x3  }
0x1bf: {  	v11 =	vshll.u32 v11, v1  }
0x1c0: {  	v11 =	vbroadcast v11, $0x0;
	[tilespmem:s9+$0x10] =	vst v10  }
0x1c1: {  	v9 =	vld.idx.msk [tilespmem:v9+s0+$0x0], $0xffff  }
0x1c2: {  	v10 =	vadd.s32 v8, v11  }
0x1c3: {  	s19 =	simm.s32 $0x8;
	s24 =	simm.s32 $0x17;
	s25 =	simm.s32 $0xF  }
.LBB2_9:
0x1c4: {  	p1 =	sne.s32 s24, $0x4F;
	v11 =	vmov s19  }
0x1c5: {  	v11 =	vshrl.u32 v11, $0x3  }
0x1c6: {  	v11 =	vshll.u32 v11, v1;
	[tilespmem:s9+$0x20] =	vst v9  }
0x1c7: {  	v9 =	vbroadcast v11, $0x0;
	v10 =	vld.idx.msk [tilespmem:v10+s0+$0x0], $0xffff;
	_ =	sdelay $0x1  }
0x1c8: {  	v9 =	vadd.s32 v0, v9  }
0x1c9: {  	s19 =	sadd.s32 $0xFFFFFFFA, s25  }
0x1ca: {  	v11 =	vmov s19  }
0x1cb: {  	v11 =	vshrl.u32 v11, $0x3  }
0x1cc: {  	v11 =	vshll.u32 v11, v1;
	[tilespmem:s9+$0x30] =	vst v10  }
0x1cd: {  	v10 =	vbroadcast v11, $0x0;
	v9 =	vld.idx.msk [tilespmem:v9+s0+$0x0], $0xffff;
	_ =	sdelay $0x1  }
0x1ce: {  	v10 =	vadd.s32 v2, v10  }
0x1cf: {  	s19 =	sadd.s32 $0xFFFFFFFB, s25  }
0x1d0: {  	v11 =	vmov s19  }
0x1d1: {  	s9 =	sadd.s32 $0x80, s9;
	v11 =	vshrl.u32 v11, $0x3  }
0x1d2: {  	[tilespmem:s9+$0xFFFFFFC0] =	vst v9;
	v9 =	vshll.u32 v11, v1  }
0x1d3: {  	v10 =	vld.idx.msk [tilespmem:v10+s0+$0x0], $0xffff;
	v9 =	vbroadcast v9, $0x0;
	_ =	sdelay $0x1  }
0x1d4: {  	v9 =	vadd.s32 v3, v9  }
0x1d5: {  	s19 =	sadd.s32 $0xFFFFFFFC, s25  }
0x1d6: {  	v11 =	vmov s19  }
0x1d7: {  	v11 =	vshrl.u32 v11, $0x3  }
0x1d8: {  	[tilespmem:s9+$0xFFFFFFD0] =	vst v10;
	v10 =	vshll.u32 v11, v1  }
0x1d9: {  	v9 =	vld.idx.msk [tilespmem:v9+s0+$0x0], $0xffff;
	v10 =	vbroadcast v10, $0x0;
	_ =	sdelay $0x1  }
0x1da: {  	v10 =	vadd.s32 v4, v10  }
0x1db: {  	s19 =	sadd.s32 $0xFFFFFFFD, s25  }
0x1dc: {  	v11 =	vmov s19  }
0x1dd: {  	v11 =	vshrl.u32 v11, $0x3  }
0x1de: {  	[tilespmem:s9+$0xFFFFFFE0] =	vst v9;
	v9 =	vshll.u32 v11, v1  }
0x1df: {  	v10 =	vld.idx.msk [tilespmem:v10+s0+$0x0], $0xffff;
	v9 =	vbroadcast v9, $0x0;
	_ =	sdelay $0x1  }
0x1e0: {  	v9 =	vadd.s32 v5, v9  }
0x1e1: {  	s19 =	sadd.s32 $0xFFFFFFFE, s25  }
0x1e2: {  	v11 =	vmov s19  }
0x1e3: {  	v11 =	vshrl.u32 v11, $0x3  }
0x1e4: {  	[tilespmem:s9+$0xFFFFFFF0] =	vst v10;
	v10 =	vshll.u32 v11, v1  }
0x1e5: {  	v9 =	vld.idx.msk [tilespmem:v9+s0+$0x0], $0xffff;
	v10 =	vbroadcast v10, $0x0;
	_ =	sdelay $0x1  }
0x1e6: {  	v10 =	vadd.s32 v6, v10  }
0x1e7: {  	s19 =	sadd.s32 $0xFFFFFFFF, s25  }
0x1e8: {  	v11 =	vmov s19  }
0x1e9: {  	v11 =	vshrl.u32 v11, $0x3  }
0x1ea: {  	[tilespmem:s9+$0x0] =	vst v9;
	v9 =	vshll.u32 v11, v1  }
0x1eb: {  	v10 =	vld.idx.msk [tilespmem:v10+s0+$0x0], $0xffff;
	v9 =	vbroadcast v9, $0x0;
	_ =	sdelay $0x1  }
0x1ec: {  	v9 =	vadd.s32 v7, v9;
	_ =	sdelay $0x1  }
0x1ed: {  	v11 =	vmov s25;
	s25 =	smov.u32 s24  }
0x1ee: {  	v11 =	vshrl.u32 v11, $0x3  }
.Ltmp4:
0x1ef: {  	[tilespmem:s9+$0x10] =	vst v10;
	v10 =	vshll.u32 v11, v1;
	(pc) =	sbr.rel @p1 .LBB2_9-.Ltmp4, $3  }
0x1f0: {  	v9 =	vld.idx.msk [tilespmem:v9+s0+$0x0], $0xffff;
	v10 =	vbroadcast v10, $0x0;
	_ =	sdelay $0x1  }
0x1f1: {  	v10 =	vadd.s32 v8, v10  }
0x1f2: {  	s24 =	sadd.s32 $0x8, s24;
	s19 =	sadd.s32 $0xFFFFFFF9, s25  }
0x1f3: {  	v11 =	vmov s19  }
0x1f4: {  	v11 =	vshrl.u32 v11, $0x3  }
0x1f5: {  	v11 =	vshll.u32 v11, v1  }
0x1f6: {  	[tilespmem:s9+$0x20] =	vst v9;
	v9 =	vbroadcast v11, $0x0  }
0x1f7: {  	v10 =	vld.idx.msk [tilespmem:v10+s0+$0x0], $0xffff  }
0x1f8: {  	s26 =	sadd.s32 $0xFFFFFFFA, s25;
	v9 =	vadd.s32 v0, v9  }
0x1f9: {  	v11 =	vmov s26  }
0x1fa: {  	v11 =	vshrl.u32 v11, $0x3  }
0x1fb: {  	v11 =	vshll.u32 v11, v1  }
0x1fc: {  	[tilespmem:s9+$0x30] =	vst v10;
	v10 =	vbroadcast v11, $0x0  }
0x1fd: {  	v9 =	vld.idx.msk [tilespmem:v9+s0+$0x0], $0xffff  }
0x1fe: {  	s24 =	sadd.s32 $0xFFFFFFFB, s25;
	v10 =	vadd.s32 v2, v10  }
0x1ff: {  	v11 =	vmov s24  }
0x200: {  	v11 =	vshrl.u32 v11, $0x3  }
0x201: {  	s9 =	sadd.s32 $0x80, s9;
	v11 =	vshll.u32 v11, v1  }
0x202: {  	[tilespmem:s9+$0xFFFFFFC0] =	vst v9;
	v9 =	vbroadcast v11, $0x0  }
0x203: {  	v10 =	vld.idx.msk [tilespmem:v10+s0+$0x0], $0xffff  }
0x204: {  	s26 =	sadd.s32 $0xFFFFFFFC, s25;
	v9 =	vadd.s32 v3, v9  }
0x205: {  	v11 =	vmov s26  }
0x206: {  	v11 =	vshrl.u32 v11, $0x3  }
0x207: {  	v11 =	vshll.u32 v11, v1  }
0x208: {  	[tilespmem:s9+$0xFFFFFFD0] =	vst v10;
	v10 =	vbroadcast v11, $0x0  }
0x209: {  	v9 =	vld.idx.msk [tilespmem:v9+s0+$0x0], $0xffff  }
0x20a: {  	s24 =	sadd.s32 $0xFFFFFFFD, s25;
	v10 =	vadd.s32 v4, v10  }
0x20b: {  	v11 =	vmov s24  }
0x20c: {  	v11 =	vshrl.u32 v11, $0x3  }
0x20d: {  	v11 =	vshll.u32 v11, v1  }
0x20e: {  	[tilespmem:s9+$0xFFFFFFE0] =	vst v9;
	v9 =	vbroadcast v11, $0x0  }
0x20f: {  	v10 =	vld.idx.msk [tilespmem:v10+s0+$0x0], $0xffff  }
0x210: {  	s26 =	sadd.s32 $0xFFFFFFFE, s25;
	v9 =	vadd.s32 v5, v9  }
0x211: {  	v11 =	vmov s26  }
0x212: {  	v11 =	vshrl.u32 v11, $0x3  }
0x213: {  	v11 =	vshll.u32 v11, v1  }
0x214: {  	[tilespmem:s9+$0xFFFFFFF0] =	vst v10;
	v10 =	vbroadcast v11, $0x0  }
0x215: {  	v9 =	vld.idx.msk [tilespmem:v9+s0+$0x0], $0xffff  }
0x216: {  	s24 =	sadd.s32 $0xFFFFFFFF, s25;
	v10 =	vadd.s32 v6, v10  }
0x217: {  	v11 =	vmov s24  }
0x218: {  	v11 =	vshrl.u32 v11, $0x3  }
0x219: {  	v11 =	vshll.u32 v11, v1  }
0x21a: {  	[tilespmem:s9+$0x0] =	vst v9;
	v9 =	vbroadcast v11, $0x0  }
0x21b: {  	v10 =	vld.idx.msk [tilespmem:v10+s0+$0x0], $0xffff  }
0x21c: {  	v9 =	vadd.s32 v7, v9  }
0x21d: {  	v11 =	vmov s25  }
0x21e: {  	v11 =	vshrl.u32 v11, $0x3  }
0x21f: {  	v11 =	vshll.u32 v11, v1  }
0x220: {  	[tilespmem:s9+$0x10] =	vst v10;
	v10 =	vbroadcast v11, $0x0  }
0x221: {  	v9 =	vld.idx.msk [tilespmem:v9+s0+$0x0], $0xffff  }
0x222: {  	v10 =	vadd.s32 v8, v10;
	_ =	sdelay $0x3  }
0x223: {  	[tilespmem:s9+$0x20] =	vst v9  }
0x224: {  	v9 =	vld.idx.msk [tilespmem:v10+s0+$0x0], $0xffff;
	_ =	sdelay $0x4  }
0x225: {  	[tilespmem:s9+$0x30] =	vst v9  }
0x226: {  	[spmem:s4] =	stream.indirect.scatter.add.f32 [tilespmem:s13], [sflag:$0x7], $0x10, s28, s28, $0xb8;
	[tilespmem:$0x1C4D0] =	vst v63  }
0x227: {  	_ =	swait.ge [sflag:s20], $0x2800  }
0x228: {  	[sflag:s20] =	ssyncset.done $0x0  }
0x229: {  	[sflag:s20] =	ssyncadd.s32 $0xFFFFD800  }
0x22a: {  	_ =	swait.ge [sflag:s21], $0x500  }
0x22b: {  	[sflag:s21] =	ssyncset.done $0x0  }
0x22c: {  	[sflag:s21] =	ssyncadd.s32 $0xFFFFFB00  }
0x22d: {  	[bflag:$0x0] =	sbarrier.arrive $0xFFFF  }
0x22e: {  	s19 =	rddreg [dreg:$0xe]  }
0x22f: {  	s9 =	simm.s32 @p0 $0x1FC9;
	s24 =	rddreg [dreg:$0x18]  }
0x230: {  	[hbm:s19], [sflag:s9] =	dma.local @p0 [spmem:s24], $0x1900  }
0x231: {  	s19 =	simm.s32 @p0 $0x9  }
0x232: {  	_ =	swait.ge @p0 [sflag:s19], $0x1900  }
0x233: {  	[sflag:s19] =	ssyncset.done @p0 $0x0;
	s24 =	rddreg [dreg:$0xf]  }
0x234: {  	s25 =	rddreg [dreg:$0x19];
	[sflag:s19] =	ssyncadd.s32 @p0 $0xFFFFE700  }
0x235: {  	[hbm:s24], [sflag:s9] =	dma.local @p0 [spmem:s25], $0x320  }
0x236: {  	_ =	swait.ge @p0 [sflag:s19], $0x320  }
0x237: {  	s9 =	rddreg [dreg:$0xa]  }
0x238: {  	[sflag:s19] =	ssyncset.done @p0 $0x0;
	s25 =	rddreg [dreg:$0x17]  }
0x239: {  	[sflag:s19] =	ssyncadd.s32 @p0 $0xFFFFFCE0;
	s19 =	rddreg [dreg:$0x13]  }
0x23a: {  	[hbm:s9], [sflag:s25] =	dma.local @!p0 [spmem:s19], $0x2800  }
0x23b: {  	s9 =	simm.s32 @!p0 $0x9  }
0x23c: {  	_ =	swait.ge @!p0 [sflag:s9], $0x2800  }
0x23d: {  	[sflag:s9] =	ssyncset.done @!p0 $0x0;
	s19 =	rddreg [dreg:$0xd]  }
0x23e: {  	s24 =	rddreg [dreg:$0x14];
	[sflag:s9] =	ssyncadd.s32 @!p0 $0xFFFFD800  }
0x23f: {  	[hbm:s19], [sflag:s25] =	dma.local @!p0 [spmem:s24], $0x500  }
0x240: {  	_ =	swait.ge @!p0 [sflag:s9], $0x500  }
0x241: {  	s25 =	rddreg [dreg:$0x16]  }
0x242: {  	s26 =	rddreg [dreg:$0x10];
	s24 =	sadd.s32 $0x1, s25  }
0x243: {  	p1 =	sne.s32 s24, s26  }
.Ltmp5:
0x244: {  	_ = 	snop;
	(pc) =	sbr.rel @p1 .LBB2_1-.Ltmp5, $3  }
0x245: {  	_ =	sdelay $0x1  }
0x246: {  	[sflag:s9] =	ssyncset.done @!p0 $0x0  }
0x247: {  	[sflag:s9] =	ssyncadd.s32 @!p0 $0xFFFFFB00  }
0x248: {  	_ =	sfence.sel $0x180000  }
0x249: {  	[bflag:$0x0] =	sbarrier.arrive $0xFFFF  }
0x24a: {  	_ =	strace $0x90000047  }
0x24b: {  	s0 =	stileid.u32;
	[bflag:$0x2] =	sbarrier.arrive $0xFFFF  }
0x24c: {  	p0 =	sne.s32 s0, $0x0;
	s0 =	rddreg [dreg:$0x5]  }
0x24d: {  	s0 =	sadd.s32 @!p0 $0x100000, s0  }
0x24e: {  	[sflag:s0] =	ssyncadd.tile.s32 @!p0 $0x1;
	_ =	shalt  }
.Lfunc_end2:
_tile_overlayer_lowered:
.L_overlay_start_2:
0x24f: {  	(tag) =	ssettag $0x2  }
0x250: {  	s0 =	rddreg [dreg:$0x0];
	s2 =	stileid.u32  }
0x251: {  	s1 =	rddreg [dreg:$0x1];
	p0 =	sne.s32 s2, $0x0  }
0x252: {  	s3 =	rddreg [dreg:$0x2];
	[bflag:$0x3] =	sbarrier.arrive $0xFFFF;
	s2 =	simm.s32 @!p0 $0x1C09  }
0x253: {  	[timem:s3], [sflag:s2] =	dma.local @!p0 [hbm:s0], s1  }
0x254: {  	s0 =	simm.s32 @!p0 $0x9  }
0x255: {  	_ =	swait.ge @!p0 [sflag:s0], s1  }
0x256: {  	s1 =	ssub.s32 @!p0 $0x0, s1;
	[sflag:s0] =	ssyncset.done @!p0 $0x0  }
0x257: {  	[sflag:s0] =	ssyncadd.s32 @!p0 s1  }
0x258: {  	[bflag:$0x3] =	sbarrier.arrive $0xFFFF  }
0x259: {  	_ =	shalt  }

</sc_bundles>
